<compile_context>
chip_gen: v7x
topology: tpu7x:2x2x1
jax: 0.10.2.dev20260603
libtpu: 0.0.44.dev20260713+nightly
codegen_flags: <defaults>
</compile_context>

<pallas_src>
import functools

import jax
import jax.numpy as jnp
from jax import lax
from jax.experimental import pallas as pl
from jax.experimental.pallas import tpu as pltpu, tpu_sc as plsc

N = 10000
E = 320000
G = 16
DN = 128
DE = 16
DG = 32
H = 128

NC = 2
NS = 16
NW = NC * NS
CK = 128
NFULL = 79
EPW = NFULL * CK
E2 = EPW * NW
TBL = 10176

NB = 200
NGRID = N // NB
EBLK = 512
EGRID = E2 // EBLK

_SC_MESH = plsc.VectorSubcoreMesh(
    core_axis_name="c", subcore_axis_name="s", num_cores=NC, num_subcores=NS)


def _add_rows(dst, src, nrows):
    def body(i, _):
        for j in range(8):
            sl = pl.ds(j * 16, 16)
            dst[i, sl] = dst[i, sl] + src[i, sl]
        return 0
    lax.fori_loop(0, nrows, body, 0)



def _p1_body(a_hbm, b_hbm, row_hbm, col_hbm, g_hbm,
             rowv, colv, av, bv, sem0, sem1):
    wid = lax.axis_index("s") * NC + lax.axis_index("c")
    base = pl.multiple_of(wid * EPW, 128)

    def body(c, _):
        off = pl.multiple_of(base + c * CK, 128)
        pltpu.sync_copy(row_hbm.at[pl.ds(off, CK)], rowv)
        pltpu.sync_copy(col_hbm.at[pl.ds(off, CK)], colv)
        d0 = pltpu.async_copy(a_hbm.at[rowv], av, sem0)
        d1 = pltpu.async_copy(b_hbm.at[colv], bv, sem1)
        d0.wait()
        d1.wait()
        _add_rows(av, bv, CK)
        pltpu.sync_copy(av, g_hbm.at[pl.ds(off, CK)])
        return 0
    lax.fori_loop(0, NFULL, body, 0)


@functools.partial(
    pl.kernel,
    out_type=jax.ShapeDtypeStruct((E2, DN), jnp.float32),
    mesh=_SC_MESH,
    scratch_types=[
        pltpu.VMEM((CK,), jnp.int32), pltpu.VMEM((CK,), jnp.int32),
        pltpu.VMEM((CK, DN), jnp.float32), pltpu.VMEM((CK, DN), jnp.float32),
        pltpu.SemaphoreType.DMA, pltpu.SemaphoreType.DMA,
    ],
)
def _p1(a_hbm, b_hbm, row_hbm, col_hbm, g_hbm, *rest):
    _p1_body(a_hbm, b_hbm, row_hbm, col_hbm, g_hbm, *rest)



def _zero_shared(zb, sh, sid):
    rps = TBL // NS
    zbase = sid * rps
    nfull = rps // CK

    def body(k, _):
        pltpu.sync_copy(zb, sh.at[pl.ds(zbase + k * CK, CK)])
        return 0
    lax.fori_loop(0, nfull, body, 0)
    rem = rps - nfull * CK
    if rem:
        pltpu.sync_copy(zb.at[pl.ds(0, rem)],
                        sh.at[pl.ds(zbase + nfull * CK, rem)])


def _p3a_body(c_hbm, stc_hbm, row_hbm, col_hbm, acc_out,
              rowv0, colv0, cv0, sv0, acc_sh, semc):
    cid = lax.axis_index("c")
    sid = lax.axis_index("s")
    wid = sid * NC + cid
    base = pl.multiple_of(wid * EPW, 128)

    zero16 = jnp.zeros((16,), jnp.float32)

    def fill(i, _):
        for j in range(8):
            cv0[i, pl.ds(j * 16, 16)] = zero16
        return 0
    lax.fori_loop(0, CK, fill, 0)
    _zero_shared(cv0, acc_sh, sid)
    plsc.subcore_barrier()

    def body(c, _):
        off = pl.multiple_of(base + c * CK, 128)
        pltpu.sync_copy(row_hbm.at[pl.ds(off, CK)], rowv0)
        pltpu.sync_copy(col_hbm.at[pl.ds(off, CK)], colv0)
        pltpu.async_copy(c_hbm.at[rowv0], cv0, semc)
        pltpu.sync_copy(stc_hbm.at[pl.ds(off, CK)], sv0)
        pltpu.make_async_copy(c_hbm.at[rowv0], cv0, semc).wait()
        _add_rows(cv0, sv0, CK)
        pltpu.sync_copy(cv0, acc_sh.at[colv0], add=True)
        return 0
    lax.fori_loop(0, NFULL, body, 0)

    plsc.subcore_barrier()

    @pl.when(sid == 0)
    def _():
        pltpu.sync_copy(acc_sh, acc_out.at[cid])


@functools.partial(
    pl.kernel,
    out_type=jax.ShapeDtypeStruct((NC, TBL, DN), jnp.float32),
    mesh=_SC_MESH,
    scratch_types=[
        pltpu.VMEM((CK,), jnp.int32), pltpu.VMEM((CK,), jnp.int32),
        pltpu.VMEM((CK, DN), jnp.float32), pltpu.VMEM((CK, DN), jnp.float32),
        pltpu.VMEM_SHARED((TBL, DN), jnp.float32),
        pltpu.SemaphoreType.DMA,
    ],
)
def _p3a(c_hbm, stc_hbm, row_hbm, col_hbm, acc_out, *rest):
    _p3a_body(c_hbm, stc_hbm, row_hbm, col_hbm, acc_out, *rest)


def _p3b_body(enew_hbm, row_hbm, racc_out, rowv0, ev0, ew, racc_sh):
    cid = lax.axis_index("c")
    sid = lax.axis_index("s")
    wid = sid * NC + cid
    base = pl.multiple_of(wid * EPW, 128)

    zero16 = jnp.zeros((16,), jnp.float32)

    def fill(i, _):
        for j in range(8):
            ew[i, pl.ds(j * 16, 16)] = zero16
        return 0
    lax.fori_loop(0, CK, fill, 0)
    _zero_shared(ew, racc_sh, sid)
    plsc.subcore_barrier()

    def body(c, _):
        off = pl.multiple_of(base + c * CK, 128)
        pltpu.sync_copy(row_hbm.at[pl.ds(off, CK)], rowv0)
        pltpu.sync_copy(enew_hbm.at[pl.ds(off, CK)], ev0)

        def cp(i, _):
            ew[i, pl.ds(0, 16)] = ev0[i, pl.ds(0, 16)]
            ew[i, pl.ds(16, 16)] = ev0[i, pl.ds(16, 16)]
            return 0
        lax.fori_loop(0, CK, cp, 0)
        pltpu.sync_copy(ew, racc_sh.at[rowv0], add=True)
        return 0
    lax.fori_loop(0, NFULL, body, 0)

    plsc.subcore_barrier()

    @pl.when(sid == 0)
    def _():
        pltpu.sync_copy(racc_sh, racc_out.at[cid])


@functools.partial(
    pl.kernel,
    out_type=jax.ShapeDtypeStruct((NC, TBL, DN), jnp.float32),
    mesh=_SC_MESH,
    scratch_types=[
        pltpu.VMEM((CK,), jnp.int32), pltpu.VMEM((CK, 2 * DE), jnp.float32),
        pltpu.VMEM((CK, DN), jnp.float32),
        pltpu.VMEM_SHARED((TBL, DN), jnp.float32),
    ],
)
def _p3b(enew_hbm, row_hbm, racc_out, *rest):
    _p3b_body(enew_hbm, row_hbm, racc_out, *rest)



def _p0_body(x_ref, oh_ref, w_ref, u_ref, wu_ref, b_ref, out_ref):
    uw = u_ref[...] @ wu_ref[...]
    t = oh_ref[...] @ uw
    pad = jnp.zeros((NB, 2 * DN), jnp.float32)
    out_ref[...] = (x_ref[...] @ w_ref[...] + b_ref[...]
                    + jnp.concatenate([t, pad], axis=1))


def _p0(x, oh, w, u, wu, b):
    return pl.pallas_call(
        _p0_body,
        grid=(NGRID,),
        in_specs=[
            pl.BlockSpec((NB, DN), lambda i: (i, 0)),
            pl.BlockSpec((NB, G), lambda i: (i, 0)),
            pl.BlockSpec((DN, 3 * DN), lambda i: (0, 0)),
            pl.BlockSpec((G, DG), lambda i: (0, 0)),
            pl.BlockSpec((DG, DN), lambda i: (0, 0)),
            pl.BlockSpec((1, 3 * DN), lambda i: (0, 0)),
        ],
        out_specs=pl.BlockSpec((NB, 3 * DN), lambda i: (i, 0)),
        out_shape=jax.ShapeDtypeStruct((N, 3 * DN), jnp.float32),
        compiler_params=pltpu.CompilerParams(
            dimension_semantics=("arbitrary",)),
    )(x, oh, w, u, wu, b)


def _p2_body(g_ref, ea_ref, wea_ref, w2_ref, w1b_ref, eb2_ref,
             enew_ref, enew32_ref, stc_ref):
    h = jnp.maximum(g_ref[...] + ea_ref[...] @ wea_ref[...], 0.0)
    enew = h @ w2_ref[...] + eb2_ref[...]

    @pl.when(pl.program_id(0) < E // EBLK)
    def _():
        enew_ref[...] = enew
    enew32_ref[...] = jnp.concatenate(
        [enew, jnp.ones((EBLK, DE), jnp.float32)], axis=1)
    m2 = w2_ref[...] @ w1b_ref[...]
    c2 = eb2_ref[...] @ w1b_ref[...]
    stc_ref[...] = h @ m2 + c2


def _p2(g, edge_attr, wea, ew2, w1b, eb2):
    return pl.pallas_call(
        _p2_body,
        grid=(EGRID,),
        in_specs=[
            pl.BlockSpec((EBLK, DN), lambda i: (i, 0)),
            pl.BlockSpec((EBLK, DE),
                         lambda i: (jnp.minimum(i, E // EBLK - 1), 0)),
            pl.BlockSpec((DE, DN), lambda i: (0, 0)),
            pl.BlockSpec((DN, DE), lambda i: (0, 0)),
            pl.BlockSpec((DE, DN), lambda i: (0, 0)),
            pl.BlockSpec((1, DE), lambda i: (0, 0)),
        ],
        out_specs=[
            pl.BlockSpec((EBLK, DE),
                         lambda i: (jnp.minimum(i, E // EBLK - 1), 0)),
            pl.BlockSpec((EBLK, 2 * DE), lambda i: (i, 0)),
            pl.BlockSpec((EBLK, DN), lambda i: (i, 0)),
        ],
        out_shape=[
            jax.ShapeDtypeStruct((E, DE), jnp.float32),
            jax.ShapeDtypeStruct((E2, 2 * DE), jnp.float32),
            jax.ShapeDtypeStruct((E2, DN), jnp.float32),
        ],
        compiler_params=pltpu.CompilerParams(
            dimension_semantics=("arbitrary",)),
    )(g, edge_attr, wea, ew2, w1b, eb2)


def _p4_body(ap, rp, x_ref, oh_ref, u_ref,
             n1b1_, n1w2_, n1b2_, w2a, w2b, w2c, n2b1_, n2w2_, n2b2_,
             gw1_, gb1_, gw2_, gb2_,
             xnew_ref, nsum_ref, gacc_ref, unew_ref):
    i = pl.program_id(0)
    acct = ap[0] + ap[1]
    h1 = jnp.maximum(acct + n1b1_[...], 0.0) @ n1w2_[...] + n1b2_[...]
    uw2 = u_ref[...] @ w2c[...]
    pre2 = (x_ref[...] @ w2a[...] + h1 @ w2b[...]
            + oh_ref[...] @ uw2 + n2b1_[...])
    xn = jnp.maximum(pre2, 0.0) @ n2w2_[...] + n2b2_[...]
    xnew_ref[...] = xn
    oh = oh_ref[...]
    tdims = (((0,), (0,)), ((), ()))
    nsum_c = lax.dot_general(oh, xn, tdims,
                             preferred_element_type=jnp.float32)
    vals = jnp.concatenate(
        [(rp[0] + rp[1])[:, :2 * DE],
         jnp.ones((NB, DE), jnp.float32),
         jnp.zeros((NB, DN - 3 * DE), jnp.float32)], axis=1)
    gacc_c = lax.dot_general(oh, vals, tdims,
                             preferred_element_type=jnp.float32)

    @pl.when(i == 0)
    def _():
        nsum_ref[...] = nsum_c
        gacc_ref[...] = gacc_c

    @pl.when(i > 0)
    def _():
        nsum_ref[...] += nsum_c
        gacc_ref[...] += gacc_c

    @pl.when(i == NGRID - 1)
    def _():
        nsum = nsum_ref[...]
        gacc = gacc_ref[...]
        esum = gacc[:, :DE]
        ecnt = gacc[:, DE:DE + 1]
        ncnt = gacc[:, 2 * DE:2 * DE + 1]
        node_info = nsum / jnp.maximum(ncnt, 1.0)
        edge_info = esum / jnp.maximum(ecnt, 1.0)
        g_in = jnp.concatenate([u_ref[...], node_info, edge_info], axis=1)
        unew_ref[...] = (jnp.maximum(g_in @ gw1_[...] + gb1_[...], 0.0)
                         @ gw2_[...] + gb2_[...])


def _p4(acc_p, racc_p, x, oh, u,
        n1b1, n1w2, n1b2, w2a, w2b, w2c, n2b1, n2w2, n2b2,
        gw1, gb1, gw2, gb2):
    def full(shape):
        return pl.BlockSpec(shape, lambda i: tuple(0 for _ in shape))
    return pl.pallas_call(
        _p4_body,
        grid=(NGRID,),
        in_specs=[
            pl.BlockSpec((NC, NB, DN), lambda i: (0, i, 0)),
            pl.BlockSpec((NC, NB, DN), lambda i: (0, i, 0)),
            pl.BlockSpec((NB, DN), lambda i: (i, 0)),
            pl.BlockSpec((NB, G), lambda i: (i, 0)),
            full((G, DG)),
            full((1, DN)), full((DN, DN)), full((1, DN)),
            full((DN, DN)), full((DN, DN)), full((DG, DN)),
            full((1, DN)), full((DN, DN)), full((1, DN)),
            full((DG + DN + DE, DN)), full((1, DN)),
            full((DN, DG)), full((1, DG)),
        ],
        out_specs=[
            pl.BlockSpec((NB, DN), lambda i: (i, 0)),
            pl.BlockSpec((G, DN), lambda i: (0, 0)),
            pl.BlockSpec((G, DN), lambda i: (0, 0)),
            pl.BlockSpec((G, DG), lambda i: (0, 0)),
        ],
        out_shape=[
            jax.ShapeDtypeStruct((N, DN), jnp.float32),
            jax.ShapeDtypeStruct((G, DN), jnp.float32),
            jax.ShapeDtypeStruct((G, DN), jnp.float32),
            jax.ShapeDtypeStruct((G, DG), jnp.float32),
        ],
        compiler_params=pltpu.CompilerParams(
            dimension_semantics=("arbitrary",)),
    )(acc_p, racc_p, x, oh, u,
      n1b1, n1w2, n1b2, w2a, w2b, w2c, n2b1, n2w2, n2b2,
      gw1, gb1, gw2, gb2)



def kernel(x, edge_index, edge_attr, u, batch,
           ew1, eb1, ew2, eb2,
           n1w1, n1b1, n1w2, n1b2,
           n2w1, n2b1, n2w2, n2b2,
           gw1, gb1, gw2, gb2):
    pad_e = E2 - E
    row = jnp.concatenate([edge_index[0],
                           jnp.full((pad_e,), N, edge_index.dtype)])
    col = jnp.concatenate([edge_index[1],
                           jnp.full((pad_e,), N, edge_index.dtype)])
    oh = (batch[:, None] == jnp.arange(G, dtype=batch.dtype)[None, :])
    oh = oh.astype(jnp.float32)

    w0 = jnp.concatenate([ew1[:DN], ew1[DN:2 * DN], n1w1[:DN]], axis=1)
    b0 = jnp.concatenate([eb1, jnp.zeros((2 * DN,), jnp.float32)])[None, :]
    abc = jnp.pad(_p0(x, oh, w0, u, ew1[2 * DN + DE:], b0),
                  ((0, TBL - N), (0, 0)))
    a_t = abc[:, :DN]
    b_t = abc[:, DN:2 * DN]
    c_t = abc[:, 2 * DN:]

    g = _p1(a_t, b_t, row, col)

    e_new, e_new32, s_tc = _p2(g, edge_attr, ew1[2 * DN:2 * DN + DE], ew2,
                               n1w1[DN:DN + DE], eb2[None, :])

    acc_p = _p3a(c_t, s_tc, row, col)
    racc_p = _p3b(e_new32, row)

    x_new, _, _, u_new = _p4(
        acc_p, racc_p,
        x, oh, u,
        n1b1[None, :], n1w2, n1b2[None, :],
        n2w1[:DN], n2w1[DN:DN + H], n2w1[DN + H:],
        n2b1[None, :], n2w2, n2b2[None, :],
        gw1, gb1[None, :], gw2, gb2[None, :])

    return (x_new, e_new, u_new)

# --- scband reference (transcript-rebuilt; emitter-appended) ---
"""Pipeline reference for scband-meta-layer-ml3-31284541784582 (READ-ONLY COPY).

The authoritative reference and input builder live on the scoring server;
editing this copy changes nothing except your own understanding.
"""

import jax, jax.numpy as jnp
import numpy as np

N = 10000
E = 320000
G = 16
DN = 128
DE = 16
DG = 32
H = 128


def _mlp(x, w1, b1, w2, b2):
    # dropout p=0.0 / eval mode -> identity
    h = jnp.maximum(x @ w1 + b1, 0.0)
    return h @ w2 + b2


def setup_inputs(seed: int = 0) -> dict:
    key = jax.random.key(seed)
    ks = [jax.random.fold_in(key, i) for i in range(32)]
    inp = {}
    inp['x'] = jax.random.normal(ks[0], (N, DN), dtype=jnp.float32)
    inp['edge_index'] = jax.random.randint(ks[1], (2, E), 0, N, dtype=jnp.int32)
    inp['edge_attr'] = jax.random.normal(ks[2], (E, DE), dtype=jnp.float32)
    inp['u'] = jax.random.normal(ks[3], (G, DG), dtype=jnp.float32)
    inp['batch'] = jnp.sort(jax.random.randint(ks[4], (N,), 0, G, dtype=jnp.int32))
    s = 0.05
    # edge MLP: in = 2*DN + DE + DG = 304
    inp['ew1'] = s * jax.random.normal(ks[5], (2 * DN + DE + DG, H), dtype=jnp.float32)
    inp['eb1'] = jnp.zeros((H,), dtype=jnp.float32)
    inp['ew2'] = s * jax.random.normal(ks[6], (H, DE), dtype=jnp.float32)
    inp['eb2'] = jnp.zeros((DE,), dtype=jnp.float32)
    # node MLP1: in = DN + DE = 144, out = H
    inp['n1w1'] = s * jax.random.normal(ks[7], (DN + DE, H), dtype=jnp.float32)
    inp['n1b1'] = jnp.zeros((H,), dtype=jnp.float32)
    inp['n1w2'] = s * jax.random.normal(ks[8], (H, H), dtype=jnp.float32)
    inp['n1b2'] = jnp.zeros((H,), dtype=jnp.float32)
    # node MLP2: in = H + DN + DG = 288, out = DN
    inp['n2w1'] = s * jax.random.normal(ks[9], (H + DN + DG, H), dtype=jnp.float32)
    inp['n2b1'] = jnp.zeros((H,), dtype=jnp.float32)
    inp['n2w2'] = s * jax.random.normal(ks[10], (H, DN), dtype=jnp.float32)
    inp['n2b2'] = jnp.zeros((DN,), dtype=jnp.float32)
    # global MLP: in = DG + DN + DE = 176, out = DG
    inp['gw1'] = s * jax.random.normal(ks[11], (DG + DN + DE, H), dtype=jnp.float32)
    inp['gb1'] = jnp.zeros((H,), dtype=jnp.float32)
    inp['gw2'] = s * jax.random.normal(ks[12], (H, DG), dtype=jnp.float32)
    inp['gb2'] = jnp.zeros((DG,), dtype=jnp.float32)
    return inp


def reference(x, edge_index, edge_attr, u, batch,
              ew1, eb1, ew2, eb2,
              n1w1, n1b1, n1w2, n1b2,
              n2w1, n2b1, n2w2, n2b2,
              gw1, gb1, gw2, gb2):
    row = edge_index[0]
    col = edge_index[1]
    # --- EdgeModel ---
    e_in = jnp.concatenate([x[row], x[col], edge_attr, u[batch[row]]], axis=1)
    e_new = _mlp(e_in, ew1, eb1, ew2, eb2)
    # --- NodeModel ---
    m = jnp.concatenate([x[row], e_new], axis=1)
    agg = jax.ops.segment_sum(m, col, num_segments=N)
    h = _mlp(agg, n1w1, n1b1, n1w2, n1b2)
    n_in = jnp.concatenate([x, h, u[batch]], axis=1)
    x_new = _mlp(n_in, n2w1, n2b1, n2w2, n2b2)
    # --- GlobalModel ---
    eb = batch[row]
    e_sum = jax.ops.segment_sum(e_new, eb, num_segments=G)
    e_cnt = jax.ops.segment_sum(jnp.ones((E,), dtype=jnp.float32), eb, num_segments=G)
    edge_info = e_sum / jnp.maximum(e_cnt, 1.0)[:, None]
    n_sum = jax.ops.segment_sum(x_new, batch, num_segments=G)
    n_cnt = jax.ops.segment_sum(jnp.ones((N,), dtype=jnp.float32), batch, num_segments=G)
    node_info = n_sum / jnp.maximum(n_cnt, 1.0)[:, None]
    g_in = jnp.concatenate([u, node_info, edge_info], axis=1)
    u_new = _mlp(g_in, gw1, gb1, gw2, gb2)
    return (x_new, e_new, u_new)

if __name__ == "__main__":
    import jax
    _d = setup_inputs()
    print(jax.jit(kernel)(*tuple(_d.values())))

</pallas_src>

<mosaic_0001>
#map = affine_map<(d0, d1) -> (0, 0)>
#map1 = affine_map<(d0, d1) -> (0)>
#map2 = affine_map<(d0, d1) -> (0, 0, 0)>
module attributes {stable_mosaic.version = 14 : i64} {
  func.func @_p3a(%arg0: i32, %arg1: i32, %arg2: memref<10176x128xf32, #tpu.memory_space<hbm>>, %arg3: memref<323584x128xf32, #tpu.memory_space<hbm>>, %arg4: memref<323584xi32, #tpu.memory_space<hbm>>, %arg5: memref<323584xi32, #tpu.memory_space<hbm>>, %arg6: memref<2x10176x128xf32, #tpu.memory_space<hbm>>, %arg7: memref<128xi32, #tpu.memory_space<vmem>>, %arg8: memref<128xi32, #tpu.memory_space<vmem>>, %arg9: memref<128x128xf32, #tpu.memory_space<vmem>>, %arg10: memref<128x128xf32, #tpu.memory_space<vmem>>, %arg11: memref<10176x128xf32, #tpu.memory_space<vmem_shared>>, %arg12: memref<!tpu.dma_semaphore, #tpu.memory_space<semaphore_mem>>) attributes {dimension_semantics = [#tpu.dimension_semantics<core_parallel>, #tpu.dimension_semantics<subcore_parallel>], iteration_bounds = array<i64: 2, 16>, scalar_prefetch = 0 : i64, scratch_operands = 6 : i64, tpu.core_type = #tpu.core_type<sc_vector_subcore>, window_params = [{transform_indices = #map}, {transform_indices = #map}, {transform_indices = #map1}, {transform_indices = #map1}, {transform_indices = #map2}]} {
    %mul3A = arith.constant 2 : i32
    %mul3A_0 = arith.muli %arg1, %mul3A : i32
    %add3A = arith.addi %mul3A_0, %arg0 : i32
    %mul3A_1 = arith.constant 10112 : i32
    %mul3A_2 = arith.muli %add3A, %mul3A_1 : i32
    %multiple_of3A = tpu.assume_multiple %mul3A_2, 128 : i32
    %broadcast_in_dim3A = arith.constant 0.000000e+00 : f32
    %broadcast_in_dim3A_3 = vector.broadcast %broadcast_in_dim3A : f32 to vector<16xf32>
    %scan3A = arith.constant 0 : i32
    %scan3A_4 = arith.constant 0 : i32
    %scan3A_5 = arith.constant 128 : i32
    %scan3A_6 = arith.addi %scan3A_4, %scan3A_5 : i32
    %scan3A_7 = arith.constant 1 : i32
    %scan3A_8 = scf.for %scan3A_31 = %scan3A_4 to %scan3A_6 step %scan3A_7 iter_args(%scan3A_32 = %scan3A) -> (i32)  : i32 {
      %swap3A = arith.index_cast %scan3A_31 : i32 to index
      %swap3A_33 = arith.constant 0 : index
      %swap3A_34 = tpu.vector_load %arg9[%swap3A, %swap3A_33] {strides = array<i32>} : memref<128x128xf32, #tpu.memory_space<vmem>>, vector<1x16xf32>,
      %swap3A_35 = vector.shape_cast %swap3A_34 : vector<1x16xf32> to vector<16xf32>
      %swap3A_36 = vector.shape_cast %broadcast_in_dim3A_3 : vector<16xf32> to vector<1x16xf32>
      tpu.vector_store %arg9[%swap3A, %swap3A_33], %swap3A_36 {strides = array<i32>} : memref<128x128xf32, #tpu.memory_space<vmem>>, vector<1x16xf32>,
      %swap3A_37 = arith.index_cast %scan3A_31 : i32 to index
      %swap3A_38 = arith.constant 16 : index
      %swap3A_39 = tpu.vector_load %arg9[%swap3A_37, %swap3A_38] {strides = array<i32>} : memref<128x128xf32, #tpu.memory_space<vmem>>, vector<1x16xf32>,
      %swap3A_40 = vector.shape_cast %swap3A_39 : vector<1x16xf32> to vector<16xf32>
      %swap3A_41 = vector.shape_cast %broadcast_in_dim3A_3 : vector<16xf32> to vector<1x16xf32>
      tpu.vector_store %arg9[%swap3A_37, %swap3A_38], %swap3A_41 {strides = array<i32>} : memref<128x128xf32, #tpu.memory_space<vmem>>, vector<1x16xf32>,
      %swap3A_42 = arith.index_cast %scan3A_31 : i32 to index
      %swap3A_43 = arith.constant 32 : index
      %swap3A_44 = tpu.vector_load %arg9[%swap3A_42, %swap3A_43] {strides = array<i32>} : memref<128x128xf32, #tpu.memory_space<vmem>>, vector<1x16xf32>,
      %swap3A_45 = vector.shape_cast %swap3A_44 : vector<1x16xf32> to vector<16xf32>
      %swap3A_46 = vector.shape_cast %broadcast_in_dim3A_3 : vector<16xf32> to vector<1x16xf32>
      tpu.vector_store %arg9[%swap3A_42, %swap3A_43], %swap3A_46 {strides = array<i32>} : memref<128x128xf32, #tpu.memory_space<vmem>>, vector<1x16xf32>,
      %swap3A_47 = arith.index_cast %scan3A_31 : i32 to index
      %swap3A_48 = arith.constant 48 : index
      %swap3A_49 = tpu.vector_load %arg9[%swap3A_47, %swap3A_48] {strides = array<i32>} : memref<128x128xf32, #tpu.memory_space<vmem>>, vector<1x16xf32>,
      %swap3A_50 = vector.shape_cast %swap3A_49 : vector<1x16xf32> to vector<16xf32>
      %swap3A_51 = vector.shape_cast %broadcast_in_dim3A_3 : vector<16xf32> to vector<1x16xf32>
      tpu.vector_store %arg9[%swap3A_47, %swap3A_48], %swap3A_51 {strides = array<i32>} : memref<128x128xf32, #tpu.memory_space<vmem>>, vector<1x16xf32>,
      %swap3A_52 = arith.index_cast %scan3A_31 : i32 to index
      %swap3A_53 = arith.constant 64 : index
      %swap3A_54 = tpu.vector_load %arg9[%swap3A_52, %swap3A_53] {strides = array<i32>} : memref<128x128xf32, #tpu.memory_space<vmem>>, vector<1x16xf32>,
      %swap3A_55 = vector.shape_cast %swap3A_54 : vector<1x16xf32> to vector<16xf32>
      %swap3A_56 = vector.shape_cast %broadcast_in_dim3A_3 : vector<16xf32> to vector<1x16xf32>
      tpu.vector_store %arg9[%swap3A_52, %swap3A_53], %swap3A_56 {strides = array<i32>} : memref<128x128xf32, #tpu.memory_space<vmem>>, vector<1x16xf32>,
      %swap3A_57 = arith.index_cast %scan3A_31 : i32 to index
      %swap3A_58 = arith.constant 80 : index
      %swap3A_59 = tpu.vector_load %arg9[%swap3A_57, %swap3A_58] {strides = array<i32>} : memref<128x128xf32, #tpu.memory_space<vmem>>, vector<1x16xf32>,
      %swap3A_60 = vector.shape_cast %swap3A_59 : vector<1x16xf32> to vector<16xf32>
      %swap3A_61 = vector.shape_cast %broadcast_in_dim3A_3 : vector<16xf32> to vector<1x16xf32>
      tpu.vector_store %arg9[%swap3A_57, %swap3A_58], %swap3A_61 {strides = array<i32>} : memref<128x128xf32, #tpu.memory_space<vmem>>, vector<1x16xf32>,
      %swap3A_62 = arith.index_cast %scan3A_31 : i32 to index
      %swap3A_63 = arith.constant 96 : index
      %swap3A_64 = tpu.vector_load %arg9[%swap3A_62, %swap3A_63] {strides = array<i32>} : memref<128x128xf32, #tpu.memory_space<vmem>>, vector<1x16xf32>,
      %swap3A_65 = vector.shape_cast %swap3A_64 : vector<1x16xf32> to vector<16xf32>
      %swap3A_66 = vector.shape_cast %broadcast_in_dim3A_3 : vector<16xf32> to vector<1x16xf32>
      tpu.vector_store %arg9[%swap3A_62, %swap3A_63], %swap3A_66 {strides = array<i32>} : memref<128x128xf32, #tpu.memory_space<vmem>>, vector<1x16xf32>,
      %swap3A_67 = arith.index_cast %scan3A_31 : i32 to index
      %swap3A_68 = arith.constant 112 : index
      %swap3A_69 = tpu.vector_load %arg9[%swap3A_67, %swap3A_68] {strides = array<i32>} : memref<128x128xf32, #tpu.memory_space<vmem>>, vector<1x16xf32>,
      %swap3A_70 = vector.shape_cast %swap3A_69 : vector<1x16xf32> to vector<16xf32>
      %swap3A_71 = vector.shape_cast %broadcast_in_dim3A_3 : vector<16xf32> to vector<1x16xf32>
      tpu.vector_store %arg9[%swap3A_67, %swap3A_68], %swap3A_71 {strides = array<i32>} : memref<128x128xf32, #tpu.memory_space<vmem>>, vector<1x16xf32>,
      %scan3A_72 = arith.constant 0 : i32
      scf.yield %scan3A_72 : i32
    }
    %scan3A_9 = arith.constant 128 : i32
    %mul3A_10 = arith.constant 636 : i32
    %mul3A_11 = arith.muli %arg1, %mul3A_10 : i32
    %scan3A_12 = arith.constant 0 : i32
    %scan3A_13 = arith.constant 0 : i32
    %scan3A_14 = arith.constant 4 : i32
    %scan3A_15 = arith.addi %scan3A_13, %scan3A_14 : i32
    %scan3A_16 = arith.constant 1 : i32
    %scan3A_17 = scf.for %scan3A_31 = %scan3A_13 to %scan3A_15 step %scan3A_16 iter_args(%scan3A_32 = %scan3A_12) -> (i32)  : i32 {
      %mul3A_33 = arith.constant 128 : i32
      %mul3A_34 = arith.muli %scan3A_31, %mul3A_33 : i32
      %add3A_35 = arith.addi %mul3A_11, %mul3A_34 : i32
      "tpu.region"() ({
        %run_scoped3A = tpu.sem_alloc : memref<!tpu.dma_semaphore, #tpu.memory_space<semaphore_mem>>
        %dma_start3A = arith.constant 0 : i32
        %dma_start3A_37 = tpu.memref_slice %arg11[%add3A_35, %dma_start3A] : memref<10176x128xf32, #tpu.memory_space<vmem_shared>> -> memref<128x128xf32, #tpu.memory_space<vmem_shared>>
        %dma_start3A_38 = arith.constant 0 : i32
        %dma_start3A_39 = tpu.memref_slice %arg11[%add3A_35, %dma_start3A_38] : memref<10176x128xf32, #tpu.memory_space<vmem_shared>> -> memref<128x128xf32, #tpu.memory_space<vmem_shared>>
        tpu.enqueue_dma source(%arg9 : memref<128x128xf32, #tpu.memory_space<vmem>>) target(%dma_start3A_39 : memref<128x128xf32, #tpu.memory_space<vmem_shared>>) target_semaphore(%run_scoped3A : memref<!tpu.dma_semaphore, #tpu.memory_space<semaphore_mem>>)
        %dma_wait3A = arith.constant 0 : i32
        %dma_wait3A_40 = tpu.memref_slice %arg11[%add3A_35, %dma_wait3A] : memref<10176x128xf32, #tpu.memory_space<vmem_shared>> -> memref<128x128xf32, #tpu.memory_space<vmem_shared>>
        %dma_wait3A_41 = arith.constant 0 : i32
        %dma_wait3A_42 = tpu.memref_slice %arg11[%add3A_35, %dma_wait3A_41] : memref<10176x128xf32, #tpu.memory_space<vmem_shared>> -> memref<128x128xf32, #tpu.memory_space<vmem_shared>>
        tpu.wait_dma2 semaphore(%run_scoped3A : memref<!tpu.dma_semaphore, #tpu.memory_space<semaphore_mem>>) src(%arg9 : memref<128x128xf32, #tpu.memory_space<vmem>>) dst(%dma_wait3A_42 : memref<128x128xf32, #tpu.memory_space<vmem_shared>>)
        tpu.yield
      }) : () -> ()
      %scan3A_36 = arith.constant 0 : i32
      scf.yield %scan3A_36 : i32
    }
    %scan3A_18 = arith.constant 4 : i32
    %add3A_19 = arith.constant 512 : i32
    %add3A_20 = arith.addi %mul3A_11, %add3A_19 : i32
    "tpu.region"() ({
      %run_scoped3A = tpu.sem_alloc : memref<!tpu.dma_semaphore, #tpu.memory_space<semaphore_mem>>
      %dma_start3A = arith.constant 0 : i32
      %dma_start3A_31 = arith.constant 0 : i32
      %dma_start3A_32 = tpu.memref_slice %arg9[%dma_start3A, %dma_start3A_31] : memref<128x128xf32, #tpu.memory_space<vmem>> -> memref<124x128xf32, #tpu.memory_space<vmem>>
      %dma_start3A_33 = arith.constant 0 : i32
      %dma_start3A_34 = tpu.memref_slice %arg11[%add3A_20, %dma_start3A_33] : memref<10176x128xf32, #tpu.memory_space<vmem_shared>> -> memref<124x128xf32, #tpu.memory_space<vmem_shared>>
      %dma_start3A_35 = arith.constant 0 : i32
      %dma_start3A_36 = tpu.memref_slice %arg11[%add3A_20, %dma_start3A_35] : memref<10176x128xf32, #tpu.memory_space<vmem_shared>> -> memref<124x128xf32, #tpu.memory_space<vmem_shared>>
      %dma_start3A_37 = arith.constant 0 : i32
      %dma_start3A_38 = arith.constant 0 : i32
      %dma_start3A_39 = tpu.memref_slice %arg9[%dma_start3A_37, %dma_start3A_38] : memref<128x128xf32, #tpu.memory_space<vmem>> -> memref<124x128xf32, #tpu.memory_space<vmem>>
      tpu.enqueue_dma source(%dma_start3A_39 : memref<124x128xf32, #tpu.memory_space<vmem>>) target(%dma_start3A_36 : memref<124x128xf32, #tpu.memory_space<vmem_shared>>) target_semaphore(%run_scoped3A : memref<!tpu.dma_semaphore, #tpu.memory_space<semaphore_mem>>)
      %dma_wait3A = arith.constant 0 : i32
      %dma_wait3A_40 = arith.constant 0 : i32
      %dma_wait3A_41 = tpu.memref_slice %arg9[%dma_wait3A, %dma_wait3A_40] : memref<128x128xf32, #tpu.memory_space<vmem>> -> memref<124x128xf32, #tpu.memory_space<vmem>>
      %dma_wait3A_42 = arith.constant 0 : i32
      %dma_wait3A_43 = tpu.memref_slice %arg11[%add3A_20, %dma_wait3A_42] : memref<10176x128xf32, #tpu.memory_space<vmem_shared>> -> memref<124x128xf32, #tpu.memory_space<vmem_shared>>
      %dma_wait3A_44 = arith.constant 0 : i32
      %dma_wait3A_45 = tpu.memref_slice %arg11[%add3A_20, %dma_wait3A_44] : memref<10176x128xf32, #tpu.memory_space<vmem_shared>> -> memref<124x128xf32, #tpu.memory_space<vmem_shared>>
      %dma_wait3A_46 = arith.constant 0 : i32
      %dma_wait3A_47 = arith.constant 0 : i32
      %dma_wait3A_48 = tpu.memref_slice %arg9[%dma_wait3A_46, %dma_wait3A_47] : memref<128x128xf32, #tpu.memory_space<vmem>> -> memref<124x128xf32, #tpu.memory_space<vmem>>
      tpu.wait_dma2 semaphore(%run_scoped3A : memref<!tpu.dma_semaphore, #tpu.memory_space<semaphore_mem>>) src(%dma_wait3A_48 : memref<124x128xf32, #tpu.memory_space<vmem>>) dst(%dma_wait3A_45 : memref<124x128xf32, #tpu.memory_space<vmem_shared>>)
      tpu.yield
    }) : () -> ()
    %barrier3A = arith.constant 0 : index
    tpu.barrier barrier_id(%barrier3A)
    %scan3A_21 = arith.constant 0 : i32
    %scan3A_22 = arith.constant 0 : i32
    %scan3A_23 = arith.constant 79 : i32
    %scan3A_24 = arith.addi %scan3A_22, %scan3A_23 : i32
    %scan3A_25 = arith.constant 1 : i32
    %scan3A_26 = scf.for %scan3A_31 = %scan3A_22 to %scan3A_24 step %scan3A_25 iter_args(%scan3A_32 = %scan3A_21) -> (i32)  : i32 {
      %mul3A_33 = arith.constant 128 : i32
      %mul3A_34 = arith.muli %scan3A_31, %mul3A_33 : i32
      %add3A_35 = arith.addi %multiple_of3A, %mul3A_34 : i32
      %multiple_of3A_36 = tpu.assume_multiple %add3A_35, 128 : i32
      "tpu.region"() ({
        %run_scoped3A = tpu.sem_alloc : memref<!tpu.dma_semaphore, #tpu.memory_space<semaphore_mem>>
        %dma_start3A_49 = tpu.memref_slice %arg4[%multiple_of3A_36] : memref<323584xi32, #tpu.memory_space<hbm>> -> memref<128xi32, #tpu.memory_space<hbm>>
        %dma_start3A_50 = tpu.memref_slice %arg4[%multiple_of3A_36] : memref<323584xi32, #tpu.memory_space<hbm>> -> memref<128xi32, #tpu.memory_space<hbm>>
        tpu.enqueue_dma source(%dma_start3A_50 : memref<128xi32, #tpu.memory_space<hbm>>) target(%arg7 : memref<128xi32, #tpu.memory_space<vmem>>) target_semaphore(%run_scoped3A : memref<!tpu.dma_semaphore, #tpu.memory_space<semaphore_mem>>)
        %dma_wait3A_51 = tpu.memref_slice %arg4[%multiple_of3A_36] : memref<323584xi32, #tpu.memory_space<hbm>> -> memref<128xi32, #tpu.memory_space<hbm>>
        %dma_wait3A_52 = tpu.memref_slice %arg4[%multiple_of3A_36] : memref<323584xi32, #tpu.memory_space<hbm>> -> memref<128xi32, #tpu.memory_space<hbm>>
        tpu.wait_dma2 semaphore(%run_scoped3A : memref<!tpu.dma_semaphore, #tpu.memory_space<semaphore_mem>>) src(%dma_wait3A_52 : memref<128xi32, #tpu.memory_space<hbm>>) dst(%arg7 : memref<128xi32, #tpu.memory_space<vmem>>)
        tpu.yield
      }) : () -> ()
      "tpu.region"() ({
        %run_scoped3A = tpu.sem_alloc : memref<!tpu.dma_semaphore, #tpu.memory_space<semaphore_mem>>
        %dma_start3A_49 = tpu.memref_slice %arg5[%multiple_of3A_36] : memref<323584xi32, #tpu.memory_space<hbm>> -> memref<128xi32, #tpu.memory_space<hbm>>
        %dma_start3A_50 = tpu.memref_slice %arg5[%multiple_of3A_36] : memref<323584xi32, #tpu.memory_space<hbm>> -> memref<128xi32, #tpu.memory_space<hbm>>
        tpu.enqueue_dma source(%dma_start3A_50 : memref<128xi32, #tpu.memory_space<hbm>>) target(%arg8 : memref<128xi32, #tpu.memory_space<vmem>>) target_semaphore(%run_scoped3A : memref<!tpu.dma_semaphore, #tpu.memory_space<semaphore_mem>>)
        %dma_wait3A_51 = tpu.memref_slice %arg5[%multiple_of3A_36] : memref<323584xi32, #tpu.memory_space<hbm>> -> memref<128xi32, #tpu.memory_space<hbm>>
        %dma_wait3A_52 = tpu.memref_slice %arg5[%multiple_of3A_36] : memref<323584xi32, #tpu.memory_space<hbm>> -> memref<128xi32, #tpu.memory_space<hbm>>
        tpu.wait_dma2 semaphore(%run_scoped3A : memref<!tpu.dma_semaphore, #tpu.memory_space<semaphore_mem>>) src(%dma_wait3A_52 : memref<128xi32, #tpu.memory_space<hbm>>) dst(%arg8 : memref<128xi32, #tpu.memory_space<vmem>>)
        tpu.yield
      }) : () -> ()
      %dma_start3A = arith.constant 0 : i32
      %dma_start3A_37 = arith.constant 0 : i32
      %dma_start3A_38 = tpu.memref_slice %arg2[%dma_start3A, %dma_start3A_37] : memref<10176x128xf32, #tpu.memory_space<hbm>> -> memref<10176x128xf32, #tpu.memory_space<hbm>>
      tpu.enqueue_indirect_dma source(%dma_start3A_38 : memref<10176x128xf32, #tpu.memory_space<hbm>>) target(%arg9 : memref<128x128xf32, #tpu.memory_space<vmem>>) offsets(%arg7 : memref<128xi32, #tpu.memory_space<vmem>>) semaphore(%arg12 : memref<!tpu.dma_semaphore, #tpu.memory_space<semaphore_mem>>)
      "tpu.region"() ({
        %run_scoped3A = tpu.sem_alloc : memref<!tpu.dma_semaphore, #tpu.memory_space<semaphore_mem>>
        %dma_start3A_49 = arith.constant 0 : i32
        %dma_start3A_50 = tpu.memref_slice %arg3[%multiple_of3A_36, %dma_start3A_49] : memref<323584x128xf32, #tpu.memory_space<hbm>> -> memref<128x128xf32, #tpu.memory_space<hbm>>
        %dma_start3A_51 = arith.constant 0 : i32
        %dma_start3A_52 = tpu.memref_slice %arg3[%multiple_of3A_36, %dma_start3A_51] : memref<323584x128xf32, #tpu.memory_space<hbm>> -> memref<128x128xf32, #tpu.memory_space<hbm>>
        tpu.enqueue_dma source(%dma_start3A_52 : memref<128x128xf32, #tpu.memory_space<hbm>>) target(%arg10 : memref<128x128xf32, #tpu.memory_space<vmem>>) target_semaphore(%run_scoped3A : memref<!tpu.dma_semaphore, #tpu.memory_space<semaphore_mem>>)
        %dma_wait3A_53 = arith.constant 0 : i32
        %dma_wait3A_54 = tpu.memref_slice %arg3[%multiple_of3A_36, %dma_wait3A_53] : memref<323584x128xf32, #tpu.memory_space<hbm>> -> memref<128x128xf32, #tpu.memory_space<hbm>>
        %dma_wait3A_55 = arith.constant 0 : i32
        %dma_wait3A_56 = tpu.memref_slice %arg3[%multiple_of3A_36, %dma_wait3A_55] : memref<323584x128xf32, #tpu.memory_space<hbm>> -> memref<128x128xf32, #tpu.memory_space<hbm>>
        tpu.wait_dma2 semaphore(%run_scoped3A : memref<!tpu.dma_semaphore, #tpu.memory_space<semaphore_mem>>) src(%dma_wait3A_56 : memref<128x128xf32, #tpu.memory_space<hbm>>) dst(%arg10 : memref<128x128xf32, #tpu.memory_space<vmem>>)
        tpu.yield
      }) : () -> ()
      %dma_wait3A = arith.constant 0 : i32
      %dma_wait3A_39 = arith.constant 0 : i32
      %dma_wait3A_40 = tpu.memref_slice %arg2[%dma_wait3A, %dma_wait3A_39] : memref<10176x128xf32, #tpu.memory_space<hbm>> -> memref<10176x128xf32, #tpu.memory_space<hbm>>
      tpu.wait_indirect_dma semaphore(%arg12 : memref<!tpu.dma_semaphore, #tpu.memory_space<semaphore_mem>>) src(%dma_wait3A_40 : memref<10176x128xf32, #tpu.memory_space<hbm>>) dst(%arg9 : memref<128x128xf32, #tpu.memory_space<vmem>>)
      %scan3A_41 = arith.constant 0 : i32
      %scan3A_42 = arith.constant 0 : i32
      %scan3A_43 = arith.constant 128 : i32
      %scan3A_44 = arith.addi %scan3A_42, %scan3A_43 : i32
      %scan3A_45 = arith.constant 1 : i32
      %scan3A_46 = scf.for %scan3A_49 = %scan3A_42 to %scan3A_44 step %scan3A_45 iter_args(%scan3A_50 = %scan3A_41) -> (i32)  : i32 {
        %get3A = arith.index_cast %scan3A_49 : i32 to index
        %get3A_51 = arith.constant 0 : index
        %get3A_52 = tpu.vector_load %arg9[%get3A, %get3A_51] {strides = array<i32>} : memref<128x128xf32, #tpu.memory_space<vmem>>, vector<1x16xf32>,
        %get3A_53 = vector.shape_cast %get3A_52 : vector<1x16xf32> to vector<16xf32>
        %get3A_54 = arith.index_cast %scan3A_49 : i32 to index
        %get3A_55 = arith.constant 0 : index
        %get3A_56 = tpu.vector_load %arg10[%get3A_54, %get3A_55] {strides = array<i32>} : memref<128x128xf32, #tpu.memory_space<vmem>>, vector<1x16xf32>,
        %get3A_57 = vector.shape_cast %get3A_56 : vector<1x16xf32> to vector<16xf32>
        %add3A_58 = arith.addf %get3A_53, %get3A_57 : vector<16xf32>
        %swap3A = arith.index_cast %scan3A_49 : i32 to index
        %swap3A_59 = arith.constant 0 : index
        %swap3A_60 = tpu.vector_load %arg9[%swap3A, %swap3A_59] {strides = array<i32>} : memref<128x128xf32, #tpu.memory_space<vmem>>, vector<1x16xf32>,
        %swap3A_61 = vector.shape_cast %swap3A_60 : vector<1x16xf32> to vector<16xf32>
        %swap3A_62 = vector.shape_cast %add3A_58 : vector<16xf32> to vector<1x16xf32>
        tpu.vector_store %arg9[%swap3A, %swap3A_59], %swap3A_62 {strides = array<i32>} : memref<128x128xf32, #tpu.memory_space<vmem>>, vector<1x16xf32>,
        %get3A_63 = arith.index_cast %scan3A_49 : i32 to index
        %get3A_64 = arith.constant 16 : index
        %get3A_65 = tpu.vector_load %arg9[%get3A_63, %get3A_64] {strides = array<i32>} : memref<128x128xf32, #tpu.memory_space<vmem>>, vector<1x16xf32>,
        %get3A_66 = vector.shape_cast %get3A_65 : vector<1x16xf32> to vector<16xf32>
        %get3A_67 = arith.index_cast %scan3A_49 : i32 to index
        %get3A_68 = arith.constant 16 : index
        %get3A_69 = tpu.vector_load %arg10[%get3A_67, %get3A_68] {strides = array<i32>} : memref<128x128xf32, #tpu.memory_space<vmem>>, vector<1x16xf32>,
        %get3A_70 = vector.shape_cast %get3A_69 : vector<1x16xf32> to vector<16xf32>
        %add3A_71 = arith.addf %get3A_66, %get3A_70 : vector<16xf32>
        %swap3A_72 = arith.index_cast %scan3A_49 : i32 to index
        %swap3A_73 = arith.constant 16 : index
        %swap3A_74 = tpu.vector_load %arg9[%swap3A_72, %swap3A_73] {strides = array<i32>} : memref<128x128xf32, #tpu.memory_space<vmem>>, vector<1x16xf32>,
        %swap3A_75 = vector.shape_cast %swap3A_74 : vector<1x16xf32> to vector<16xf32>
        %swap3A_76 = vector.shape_cast %add3A_71 : vector<16xf32> to vector<1x16xf32>
        tpu.vector_store %arg9[%swap3A_72, %swap3A_73], %swap3A_76 {strides = array<i32>} : memref<128x128xf32, #tpu.memory_space<vmem>>, vector<1x16xf32>,
        %get3A_77 = arith.index_cast %scan3A_49 : i32 to index
        %get3A_78 = arith.constant 32 : index
        %get3A_79 = tpu.vector_load %arg9[%get3A_77, %get3A_78] {strides = array<i32>} : memref<128x128xf32, #tpu.memory_space<vmem>>, vector<1x16xf32>,
        %get3A_80 = vector.shape_cast %get3A_79 : vector<1x16xf32> to vector<16xf32>
        %get3A_81 = arith.index_cast %scan3A_49 : i32 to index
        %get3A_82 = arith.constant 32 : index
        %get3A_83 = tpu.vector_load %arg10[%get3A_81, %get3A_82] {strides = array<i32>} : memref<128x128xf32, #tpu.memory_space<vmem>>, vector<1x16xf32>,
        %get3A_84 = vector.shape_cast %get3A_83 : vector<1x16xf32> to vector<16xf32>
        %add3A_85 = arith.addf %get3A_80, %get3A_84 : vector<16xf32>
        %swap3A_86 = arith.index_cast %scan3A_49 : i32 to index
        %swap3A_87 = arith.constant 32 : index
        %swap3A_88 = tpu.vector_load %arg9[%swap3A_86, %swap3A_87] {strides = array<i32>} : memref<128x128xf32, #tpu.memory_space<vmem>>, vector<1x16xf32>,
        %swap3A_89 = vector.shape_cast %swap3A_88 : vector<1x16xf32> to vector<16xf32>
        %swap3A_90 = vector.shape_cast %add3A_85 : vector<16xf32> to vector<1x16xf32>
        tpu.vector_store %arg9[%swap3A_86, %swap3A_87], %swap3A_90 {strides = array<i32>} : memref<128x128xf32, #tpu.memory_space<vmem>>, vector<1x16xf32>,
        %get3A_91 = arith.index_cast %scan3A_49 : i32 to index
        %get3A_92 = arith.constant 48 : index
        %get3A_93 = tpu.vector_load %arg9[%get3A_91, %get3A_92] {strides = array<i32>} : memref<128x128xf32, #tpu.memory_space<vmem>>, vector<1x16xf32>,
        %get3A_94 = vector.shape_cast %get3A_93 : vector<1x16xf32> to vector<16xf32>
        %get3A_95 = arith.index_cast %scan3A_49 : i32 to index
        %get3A_96 = arith.constant 48 : index
        %get3A_97 = tpu.vector_load %arg10[%get3A_95, %get3A_96] {strides = array<i32>} : memref<128x128xf32, #tpu.memory_space<vmem>>, vector<1x16xf32>,
        %get3A_98 = vector.shape_cast %get3A_97 : vector<1x16xf32> to vector<16xf32>
        %add3A_99 = arith.addf %get3A_94, %get3A_98 : vector<16xf32>
        %swap3A_100 = arith.index_cast %scan3A_49 : i32 to index
        %swap3A_101 = arith.constant 48 : index
        %swap3A_102 = tpu.vector_load %arg9[%swap3A_100, %swap3A_101] {strides = array<i32>} : memref<128x128xf32, #tpu.memory_space<vmem>>, vector<1x16xf32>,
        %swap3A_103 = vector.shape_cast %swap3A_102 : vector<1x16xf32> to vector<16xf32>
        %swap3A_104 = vector.shape_cast %add3A_99 : vector<16xf32> to vector<1x16xf32>
        tpu.vector_store %arg9[%swap3A_100, %swap3A_101], %swap3A_104 {strides = array<i32>} : memref<128x128xf32, #tpu.memory_space<vmem>>, vector<1x16xf32>,
        %get3A_105 = arith.index_cast %scan3A_49 : i32 to index
        %get3A_106 = arith.constant 64 : index
        %get3A_107 = tpu.vector_load %arg9[%get3A_105, %get3A_106] {strides = array<i32>} : memref<128x128xf32, #tpu.memory_space<vmem>>, vector<1x16xf32>,
        %get3A_108 = vector.shape_cast %get3A_107 : vector<1x16xf32> to vector<16xf32>
        %get3A_109 = arith.index_cast %scan3A_49 : i32 to index
        %get3A_110 = arith.constant 64 : index
        %get3A_111 = tpu.vector_load %arg10[%get3A_109, %get3A_110] {strides = array<i32>} : memref<128x128xf32, #tpu.memory_space<vmem>>, vector<1x16xf32>,
        %get3A_112 = vector.shape_cast %get3A_111 : vector<1x16xf32> to vector<16xf32>
        %add3A_113 = arith.addf %get3A_108, %get3A_112 : vector<16xf32>
        %swap3A_114 = arith.index_cast %scan3A_49 : i32 to index
        %swap3A_115 = arith.constant 64 : index
        %swap3A_116 = tpu.vector_load %arg9[%swap3A_114, %swap3A_115] {strides = array<i32>} : memref<128x128xf32, #tpu.memory_space<vmem>>, vector<1x16xf32>,
        %swap3A_117 = vector.shape_cast %swap3A_116 : vector<1x16xf32> to vector<16xf32>
        %swap3A_118 = vector.shape_cast %add3A_113 : vector<16xf32> to vector<1x16xf32>
        tpu.vector_store %arg9[%swap3A_114, %swap3A_115], %swap3A_118 {strides = array<i32>} : memref<128x128xf32, #tpu.memory_space<vmem>>, vector<1x16xf32>,
        %get3A_119 = arith.index_cast %scan3A_49 : i32 to index
        %get3A_120 = arith.constant 80 : index
        %get3A_121 = tpu.vector_load %arg9[%get3A_119, %get3A_120] {strides = array<i32>} : memref<128x128xf32, #tpu.memory_space<vmem>>, vector<1x16xf32>,
        %get3A_122 = vector.shape_cast %get3A_121 : vector<1x16xf32> to vector<16xf32>
        %get3A_123 = arith.index_cast %scan3A_49 : i32 to index
        %get3A_124 = arith.constant 80 : index
        %get3A_125 = tpu.vector_load %arg10[%get3A_123, %get3A_124] {strides = array<i32>} : memref<128x128xf32, #tpu.memory_space<vmem>>, vector<1x16xf32>,
        %get3A_126 = vector.shape_cast %get3A_125 : vector<1x16xf32> to vector<16xf32>
        %add3A_127 = arith.addf %get3A_122, %get3A_126 : vector<16xf32>
        %swap3A_128 = arith.index_cast %scan3A_49 : i32 to index
        %swap3A_129 = arith.constant 80 : index
        %swap3A_130 = tpu.vector_load %arg9[%swap3A_128, %swap3A_129] {strides = array<i32>} : memref<128x128xf32, #tpu.memory_space<vmem>>, vector<1x16xf32>,
        %swap3A_131 = vector.shape_cast %swap3A_130 : vector<1x16xf32> to vector<16xf32>
        %swap3A_132 = vector.shape_cast %add3A_127 : vector<16xf32> to vector<1x16xf32>
        tpu.vector_store %arg9[%swap3A_128, %swap3A_129], %swap3A_132 {strides = array<i32>} : memref<128x128xf32, #tpu.memory_space<vmem>>, vector<1x16xf32>,
        %get3A_133 = arith.index_cast %scan3A_49 : i32 to index
        %get3A_134 = arith.constant 96 : index
        %get3A_135 = tpu.vector_load %arg9[%get3A_133, %get3A_134] {strides = array<i32>} : memref<128x128xf32, #tpu.memory_space<vmem>>, vector<1x16xf32>,
        %get3A_136 = vector.shape_cast %get3A_135 : vector<1x16xf32> to vector<16xf32>
        %get3A_137 = arith.index_cast %scan3A_49 : i32 to index
        %get3A_138 = arith.constant 96 : index
        %get3A_139 = tpu.vector_load %arg10[%get3A_137, %get3A_138] {strides = array<i32>} : memref<128x128xf32, #tpu.memory_space<vmem>>, vector<1x16xf32>,
        %get3A_140 = vector.shape_cast %get3A_139 : vector<1x16xf32> to vector<16xf32>
        %add3A_141 = arith.addf %get3A_136, %get3A_140 : vector<16xf32>
        %swap3A_142 = arith.index_cast %scan3A_49 : i32 to index
        %swap3A_143 = arith.constant 96 : index
        %swap3A_144 = tpu.vector_load %arg9[%swap3A_142, %swap3A_143] {strides = array<i32>} : memref<128x128xf32, #tpu.memory_space<vmem>>, vector<1x16xf32>,
        %swap3A_145 = vector.shape_cast %swap3A_144 : vector<1x16xf32> to vector<16xf32>
        %swap3A_146 = vector.shape_cast %add3A_141 : vector<16xf32> to vector<1x16xf32>
        tpu.vector_store %arg9[%swap3A_142, %swap3A_143], %swap3A_146 {strides = array<i32>} : memref<128x128xf32, #tpu.memory_space<vmem>>, vector<1x16xf32>,
        %get3A_147 = arith.index_cast %scan3A_49 : i32 to index
        %get3A_148 = arith.constant 112 : index
        %get3A_149 = tpu.vector_load %arg9[%get3A_147, %get3A_148] {strides = array<i32>} : memref<128x128xf32, #tpu.memory_space<vmem>>, vector<1x16xf32>,
        %get3A_150 = vector.shape_cast %get3A_149 : vector<1x16xf32> to vector<16xf32>
        %get3A_151 = arith.index_cast %scan3A_49 : i32 to index
        %get3A_152 = arith.constant 112 : index
        %get3A_153 = tpu.vector_load %arg10[%get3A_151, %get3A_152] {strides = array<i32>} : memref<128x128xf32, #tpu.memory_space<vmem>>, vector<1x16xf32>,
        %get3A_154 = vector.shape_cast %get3A_153 : vector<1x16xf32> to vector<16xf32>
        %add3A_155 = arith.addf %get3A_150, %get3A_154 : vector<16xf32>
        %swap3A_156 = arith.index_cast %scan3A_49 : i32 to index
        %swap3A_157 = arith.constant 112 : index
        %swap3A_158 = tpu.vector_load %arg9[%swap3A_156, %swap3A_157] {strides = array<i32>} : memref<128x128xf32, #tpu.memory_space<vmem>>, vector<1x16xf32>,
        %swap3A_159 = vector.shape_cast %swap3A_158 : vector<1x16xf32> to vector<16xf32>
        %swap3A_160 = vector.shape_cast %add3A_155 : vector<16xf32> to vector<1x16xf32>
        tpu.vector_store %arg9[%swap3A_156, %swap3A_157], %swap3A_160 {strides = array<i32>} : memref<128x128xf32, #tpu.memory_space<vmem>>, vector<1x16xf32>,
        %scan3A_161 = arith.constant 0 : i32
        scf.yield %scan3A_161 : i32
      }
      %scan3A_47 = arith.constant 128 : i32
      "tpu.region"() ({
        %run_scoped3A = tpu.sem_alloc : memref<!tpu.dma_semaphore, #tpu.memory_space<semaphore_mem>>
        %dma_start3A_49 = arith.constant 0 : i32
        %dma_start3A_50 = arith.constant 0 : i32
        %dma_start3A_51 = tpu.memref_slice %arg11[%dma_start3A_49, %dma_start3A_50] : memref<10176x128xf32, #tpu.memory_space<vmem_shared>> -> memref<10176x128xf32, #tpu.memory_space<vmem_shared>>
        tpu.enqueue_indirect_dma source(%arg9 : memref<128x128xf32, #tpu.memory_space<vmem>>) target(%dma_start3A_51 : memref<10176x128xf32, #tpu.memory_space<vmem_shared>>) offsets(%arg8 : memref<128xi32, #tpu.memory_space<vmem>>) semaphore(%run_scoped3A : memref<!tpu.dma_semaphore, #tpu.memory_space<semaphore_mem>>) {add = true}
        %dma_wait3A_52 = arith.constant 0 : i32
        %dma_wait3A_53 = arith.constant 0 : i32
        %dma_wait3A_54 = tpu.memref_slice %arg11[%dma_wait3A_52, %dma_wait3A_53] : memref<10176x128xf32, #tpu.memory_space<vmem_shared>> -> memref<10176x128xf32, #tpu.memory_space<vmem_shared>>
        tpu.wait_indirect_dma semaphore(%run_scoped3A : memref<!tpu.dma_semaphore, #tpu.memory_space<semaphore_mem>>) src(%arg9 : memref<128x128xf32, #tpu.memory_space<vmem>>) dst(%dma_wait3A_54 : memref<10176x128xf32, #tpu.memory_space<vmem_shared>>)
        tpu.yield
      }) : () -> ()
      %scan3A_48 = arith.constant 0 : i32
      scf.yield %scan3A_48 : i32
    }
    %scan3A_27 = arith.constant 79 : i32
    %barrier3A_28 = arith.constant 0 : index
    tpu.barrier barrier_id(%barrier3A_28)
    %eq3A = arith.constant 0 : i32
    %eq3A_29 = arith.cmpi eq, %arg1, %eq3A : i32
    %convert_element_type3A = arith.extui %eq3A_29 : i1 to i32
    %cond3A = arith.constant 0 : i32
    %cond3A_30 = arith.cmpi ne, %convert_element_type3A, %cond3A : i32
    scf.if %cond3A_30 {
      "tpu.region"() ({
        %run_scoped3A = tpu.sem_alloc : memref<!tpu.dma_semaphore, #tpu.memory_space<semaphore_mem>>
        %dma_start3A = arith.constant 0 : i32
        %dma_start3A_31 = arith.constant 0 : i32
        %dma_start3A_32 = tpu.memref_slice %arg6[%arg0, %dma_start3A, %dma_start3A_31] : memref<2x10176x128xf32, #tpu.memory_space<hbm>> -> memref<1x10176x128xf32, #tpu.memory_space<hbm>>
        %dma_start3A_33 = tpu.memref_squeeze %dma_start3A_32 : memref<1x10176x128xf32, #tpu.memory_space<hbm>> -> memref<10176x128xf32, #tpu.memory_space<hbm>>
        tpu.enqueue_dma source(%arg11 : memref<10176x128xf32, #tpu.memory_space<vmem_shared>>) target(%dma_start3A_33 : memref<10176x128xf32, #tpu.memory_space<hbm>>) target_semaphore(%run_scoped3A : memref<!tpu.dma_semaphore, #tpu.memory_space<semaphore_mem>>)
        %dma_wait3A = arith.constant 0 : i32
        %dma_wait3A_34 = arith.constant 0 : i32
        %dma_wait3A_35 = tpu.memref_slice %arg6[%arg0, %dma_wait3A, %dma_wait3A_34] : memref<2x10176x128xf32, #tpu.memory_space<hbm>> -> memref<1x10176x128xf32, #tpu.memory_space<hbm>>
        %dma_wait3A_36 = tpu.memref_squeeze %dma_wait3A_35 : memref<1x10176x128xf32, #tpu.memory_space<hbm>> -> memref<10176x128xf32, #tpu.memory_space<hbm>>
        tpu.wait_dma2 semaphore(%run_scoped3A : memref<!tpu.dma_semaphore, #tpu.memory_space<semaphore_mem>>) src(%arg11 : memref<10176x128xf32, #tpu.memory_space<vmem_shared>>) dst(%dma_wait3A_36 : memref<10176x128xf32, #tpu.memory_space<hbm>>)
        tpu.yield
      }) : () -> ()
    } else {
    }
    return
  }
}

#map = affine_map<(d0, d1) -> (0, 0)>
#map1 = affine_map<(d0, d1) -> (0)>
module attributes {stable_mosaic.version = 14 : i64} {
  func.func @_p1(%arg0: i32, %arg1: i32, %arg2: memref<10176x128xf32, #tpu.memory_space<hbm>>, %arg3: memref<10176x128xf32, #tpu.memory_space<hbm>>, %arg4: memref<323584xi32, #tpu.memory_space<hbm>>, %arg5: memref<323584xi32, #tpu.memory_space<hbm>>, %arg6: memref<323584x128xf32, #tpu.memory_space<hbm>>, %arg7: memref<128xi32, #tpu.memory_space<vmem>>, %arg8: memref<128xi32, #tpu.memory_space<vmem>>, %arg9: memref<128x128xf32, #tpu.memory_space<vmem>>, %arg10: memref<128x128xf32, #tpu.memory_space<vmem>>, %arg11: memref<!tpu.dma_semaphore, #tpu.memory_space<semaphore_mem>>, %arg12: memref<!tpu.dma_semaphore, #tpu.memory_space<semaphore_mem>>) attributes {dimension_semantics = [#tpu.dimension_semantics<core_parallel>, #tpu.dimension_semantics<subcore_parallel>], iteration_bounds = array<i64: 2, 16>, scalar_prefetch = 0 : i64, scratch_operands = 6 : i64, tpu.core_type = #tpu.core_type<sc_vector_subcore>, window_params = [{transform_indices = #map}, {transform_indices = #map}, {transform_indices = #map1}, {transform_indices = #map1}, {transform_indices = #map}]} {
    %mul3A = arith.constant 2 : i32
    %mul3A_0 = arith.muli %arg1, %mul3A : i32
    %add3A = arith.addi %mul3A_0, %arg0 : i32
    %mul3A_1 = arith.constant 10112 : i32
    %mul3A_2 = arith.muli %add3A, %mul3A_1 : i32
    %multiple_of3A = tpu.assume_multiple %mul3A_2, 128 : i32
    %scan3A = arith.constant 0 : i32
    %scan3A_3 = arith.constant 0 : i32
    %scan3A_4 = arith.constant 79 : i32
    %scan3A_5 = arith.addi %scan3A_3, %scan3A_4 : i32
    %scan3A_6 = arith.constant 1 : i32
    %scan3A_7 = scf.for %scan3A_9 = %scan3A_3 to %scan3A_5 step %scan3A_6 iter_args(%scan3A_10 = %scan3A) -> (i32)  : i32 {
      %mul3A_11 = arith.constant 128 : i32
      %mul3A_12 = arith.muli %scan3A_9, %mul3A_11 : i32
      %add3A_13 = arith.addi %multiple_of3A, %mul3A_12 : i32
      %multiple_of3A_14 = tpu.assume_multiple %add3A_13, 128 : i32
      "tpu.region"() ({
        %run_scoped3A = tpu.sem_alloc : memref<!tpu.dma_semaphore, #tpu.memory_space<semaphore_mem>>
        %dma_start3A_33 = tpu.memref_slice %arg4[%multiple_of3A_14] : memref<323584xi32, #tpu.memory_space<hbm>> -> memref<128xi32, #tpu.memory_space<hbm>>
        %dma_start3A_34 = tpu.memref_slice %arg4[%multiple_of3A_14] : memref<323584xi32, #tpu.memory_space<hbm>> -> memref<128xi32, #tpu.memory_space<hbm>>
        tpu.enqueue_dma source(%dma_start3A_34 : memref<128xi32, #tpu.memory_space<hbm>>) target(%arg7 : memref<128xi32, #tpu.memory_space<vmem>>) target_semaphore(%run_scoped3A : memref<!tpu.dma_semaphore, #tpu.memory_space<semaphore_mem>>)
        %dma_wait3A_35 = tpu.memref_slice %arg4[%multiple_of3A_14] : memref<323584xi32, #tpu.memory_space<hbm>> -> memref<128xi32, #tpu.memory_space<hbm>>
        %dma_wait3A_36 = tpu.memref_slice %arg4[%multiple_of3A_14] : memref<323584xi32, #tpu.memory_space<hbm>> -> memref<128xi32, #tpu.memory_space<hbm>>
        tpu.wait_dma2 semaphore(%run_scoped3A : memref<!tpu.dma_semaphore, #tpu.memory_space<semaphore_mem>>) src(%dma_wait3A_36 : memref<128xi32, #tpu.memory_space<hbm>>) dst(%arg7 : memref<128xi32, #tpu.memory_space<vmem>>)
        tpu.yield
      }) : () -> ()
      "tpu.region"() ({
        %run_scoped3A = tpu.sem_alloc : memref<!tpu.dma_semaphore, #tpu.memory_space<semaphore_mem>>
        %dma_start3A_33 = tpu.memref_slice %arg5[%multiple_of3A_14] : memref<323584xi32, #tpu.memory_space<hbm>> -> memref<128xi32, #tpu.memory_space<hbm>>
        %dma_start3A_34 = tpu.memref_slice %arg5[%multiple_of3A_14] : memref<323584xi32, #tpu.memory_space<hbm>> -> memref<128xi32, #tpu.memory_space<hbm>>
        tpu.enqueue_dma source(%dma_start3A_34 : memref<128xi32, #tpu.memory_space<hbm>>) target(%arg8 : memref<128xi32, #tpu.memory_space<vmem>>) target_semaphore(%run_scoped3A : memref<!tpu.dma_semaphore, #tpu.memory_space<semaphore_mem>>)
        %dma_wait3A_35 = tpu.memref_slice %arg5[%multiple_of3A_14] : memref<323584xi32, #tpu.memory_space<hbm>> -> memref<128xi32, #tpu.memory_space<hbm>>
        %dma_wait3A_36 = tpu.memref_slice %arg5[%multiple_of3A_14] : memref<323584xi32, #tpu.memory_space<hbm>> -> memref<128xi32, #tpu.memory_space<hbm>>
        tpu.wait_dma2 semaphore(%run_scoped3A : memref<!tpu.dma_semaphore, #tpu.memory_space<semaphore_mem>>) src(%dma_wait3A_36 : memref<128xi32, #tpu.memory_space<hbm>>) dst(%arg8 : memref<128xi32, #tpu.memory_space<vmem>>)
        tpu.yield
      }) : () -> ()
      %dma_start3A = arith.constant 0 : i32
      %dma_start3A_15 = arith.constant 0 : i32
      %dma_start3A_16 = tpu.memref_slice %arg2[%dma_start3A, %dma_start3A_15] : memref<10176x128xf32, #tpu.memory_space<hbm>> -> memref<10176x128xf32, #tpu.memory_space<hbm>>
      tpu.enqueue_indirect_dma source(%dma_start3A_16 : memref<10176x128xf32, #tpu.memory_space<hbm>>) target(%arg9 : memref<128x128xf32, #tpu.memory_space<vmem>>) offsets(%arg7 : memref<128xi32, #tpu.memory_space<vmem>>) semaphore(%arg11 : memref<!tpu.dma_semaphore, #tpu.memory_space<semaphore_mem>>)
      %dma_start3A_17 = arith.constant 0 : i32
      %dma_start3A_18 = arith.constant 0 : i32
      %dma_start3A_19 = tpu.memref_slice %arg3[%dma_start3A_17, %dma_start3A_18] : memref<10176x128xf32, #tpu.memory_space<hbm>> -> memref<10176x128xf32, #tpu.memory_space<hbm>>
      tpu.enqueue_indirect_dma source(%dma_start3A_19 : memref<10176x128xf32, #tpu.memory_space<hbm>>) target(%arg10 : memref<128x128xf32, #tpu.memory_space<vmem>>) offsets(%arg8 : memref<128xi32, #tpu.memory_space<vmem>>) semaphore(%arg12 : memref<!tpu.dma_semaphore, #tpu.memory_space<semaphore_mem>>)
      %dma_wait3A = arith.constant 0 : i32
      %dma_wait3A_20 = arith.constant 0 : i32
      %dma_wait3A_21 = tpu.memref_slice %arg2[%dma_wait3A, %dma_wait3A_20] : memref<10176x128xf32, #tpu.memory_space<hbm>> -> memref<10176x128xf32, #tpu.memory_space<hbm>>
      tpu.wait_indirect_dma semaphore(%arg11 : memref<!tpu.dma_semaphore, #tpu.memory_space<semaphore_mem>>) src(%dma_wait3A_21 : memref<10176x128xf32, #tpu.memory_space<hbm>>) dst(%arg9 : memref<128x128xf32, #tpu.memory_space<vmem>>)
      %dma_wait3A_22 = arith.constant 0 : i32
      %dma_wait3A_23 = arith.constant 0 : i32
      %dma_wait3A_24 = tpu.memref_slice %arg3[%dma_wait3A_22, %dma_wait3A_23] : memref<10176x128xf32, #tpu.memory_space<hbm>> -> memref<10176x128xf32, #tpu.memory_space<hbm>>
      tpu.wait_indirect_dma semaphore(%arg12 : memref<!tpu.dma_semaphore, #tpu.memory_space<semaphore_mem>>) src(%dma_wait3A_24 : memref<10176x128xf32, #tpu.memory_space<hbm>>) dst(%arg10 : memref<128x128xf32, #tpu.memory_space<vmem>>)
      %scan3A_25 = arith.constant 0 : i32
      %scan3A_26 = arith.constant 0 : i32
      %scan3A_27 = arith.constant 128 : i32
      %scan3A_28 = arith.addi %scan3A_26, %scan3A_27 : i32
      %scan3A_29 = arith.constant 1 : i32
      %scan3A_30 = scf.for %scan3A_33 = %scan3A_26 to %scan3A_28 step %scan3A_29 iter_args(%scan3A_34 = %scan3A_25) -> (i32)  : i32 {
        %get3A = arith.index_cast %scan3A_33 : i32 to index
        %get3A_35 = arith.constant 0 : index
        %get3A_36 = tpu.vector_load %arg9[%get3A, %get3A_35] {strides = array<i32>} : memref<128x128xf32, #tpu.memory_space<vmem>>, vector<1x16xf32>,
        %get3A_37 = vector.shape_cast %get3A_36 : vector<1x16xf32> to vector<16xf32>
        %get3A_38 = arith.index_cast %scan3A_33 : i32 to index
        %get3A_39 = arith.constant 0 : index
        %get3A_40 = tpu.vector_load %arg10[%get3A_38, %get3A_39] {strides = array<i32>} : memref<128x128xf32, #tpu.memory_space<vmem>>, vector<1x16xf32>,
        %get3A_41 = vector.shape_cast %get3A_40 : vector<1x16xf32> to vector<16xf32>
        %add3A_42 = arith.addf %get3A_37, %get3A_41 : vector<16xf32>
        %swap3A = arith.index_cast %scan3A_33 : i32 to index
        %swap3A_43 = arith.constant 0 : index
        %swap3A_44 = tpu.vector_load %arg9[%swap3A, %swap3A_43] {strides = array<i32>} : memref<128x128xf32, #tpu.memory_space<vmem>>, vector<1x16xf32>,
        %swap3A_45 = vector.shape_cast %swap3A_44 : vector<1x16xf32> to vector<16xf32>
        %swap3A_46 = vector.shape_cast %add3A_42 : vector<16xf32> to vector<1x16xf32>
        tpu.vector_store %arg9[%swap3A, %swap3A_43], %swap3A_46 {strides = array<i32>} : memref<128x128xf32, #tpu.memory_space<vmem>>, vector<1x16xf32>,
        %get3A_47 = arith.index_cast %scan3A_33 : i32 to index
        %get3A_48 = arith.constant 16 : index
        %get3A_49 = tpu.vector_load %arg9[%get3A_47, %get3A_48] {strides = array<i32>} : memref<128x128xf32, #tpu.memory_space<vmem>>, vector<1x16xf32>,
        %get3A_50 = vector.shape_cast %get3A_49 : vector<1x16xf32> to vector<16xf32>
        %get3A_51 = arith.index_cast %scan3A_33 : i32 to index
        %get3A_52 = arith.constant 16 : index
        %get3A_53 = tpu.vector_load %arg10[%get3A_51, %get3A_52] {strides = array<i32>} : memref<128x128xf32, #tpu.memory_space<vmem>>, vector<1x16xf32>,
        %get3A_54 = vector.shape_cast %get3A_53 : vector<1x16xf32> to vector<16xf32>
        %add3A_55 = arith.addf %get3A_50, %get3A_54 : vector<16xf32>
        %swap3A_56 = arith.index_cast %scan3A_33 : i32 to index
        %swap3A_57 = arith.constant 16 : index
        %swap3A_58 = tpu.vector_load %arg9[%swap3A_56, %swap3A_57] {strides = array<i32>} : memref<128x128xf32, #tpu.memory_space<vmem>>, vector<1x16xf32>,
        %swap3A_59 = vector.shape_cast %swap3A_58 : vector<1x16xf32> to vector<16xf32>
        %swap3A_60 = vector.shape_cast %add3A_55 : vector<16xf32> to vector<1x16xf32>
        tpu.vector_store %arg9[%swap3A_56, %swap3A_57], %swap3A_60 {strides = array<i32>} : memref<128x128xf32, #tpu.memory_space<vmem>>, vector<1x16xf32>,
        %get3A_61 = arith.index_cast %scan3A_33 : i32 to index
        %get3A_62 = arith.constant 32 : index
        %get3A_63 = tpu.vector_load %arg9[%get3A_61, %get3A_62] {strides = array<i32>} : memref<128x128xf32, #tpu.memory_space<vmem>>, vector<1x16xf32>,
        %get3A_64 = vector.shape_cast %get3A_63 : vector<1x16xf32> to vector<16xf32>
        %get3A_65 = arith.index_cast %scan3A_33 : i32 to index
        %get3A_66 = arith.constant 32 : index
        %get3A_67 = tpu.vector_load %arg10[%get3A_65, %get3A_66] {strides = array<i32>} : memref<128x128xf32, #tpu.memory_space<vmem>>, vector<1x16xf32>,
        %get3A_68 = vector.shape_cast %get3A_67 : vector<1x16xf32> to vector<16xf32>
        %add3A_69 = arith.addf %get3A_64, %get3A_68 : vector<16xf32>
        %swap3A_70 = arith.index_cast %scan3A_33 : i32 to index
        %swap3A_71 = arith.constant 32 : index
        %swap3A_72 = tpu.vector_load %arg9[%swap3A_70, %swap3A_71] {strides = array<i32>} : memref<128x128xf32, #tpu.memory_space<vmem>>, vector<1x16xf32>,
        %swap3A_73 = vector.shape_cast %swap3A_72 : vector<1x16xf32> to vector<16xf32>
        %swap3A_74 = vector.shape_cast %add3A_69 : vector<16xf32> to vector<1x16xf32>
        tpu.vector_store %arg9[%swap3A_70, %swap3A_71], %swap3A_74 {strides = array<i32>} : memref<128x128xf32, #tpu.memory_space<vmem>>, vector<1x16xf32>,
        %get3A_75 = arith.index_cast %scan3A_33 : i32 to index
        %get3A_76 = arith.constant 48 : index
        %get3A_77 = tpu.vector_load %arg9[%get3A_75, %get3A_76] {strides = array<i32>} : memref<128x128xf32, #tpu.memory_space<vmem>>, vector<1x16xf32>,
        %get3A_78 = vector.shape_cast %get3A_77 : vector<1x16xf32> to vector<16xf32>
        %get3A_79 = arith.index_cast %scan3A_33 : i32 to index
        %get3A_80 = arith.constant 48 : index
        %get3A_81 = tpu.vector_load %arg10[%get3A_79, %get3A_80] {strides = array<i32>} : memref<128x128xf32, #tpu.memory_space<vmem>>, vector<1x16xf32>,
        %get3A_82 = vector.shape_cast %get3A_81 : vector<1x16xf32> to vector<16xf32>
        %add3A_83 = arith.addf %get3A_78, %get3A_82 : vector<16xf32>
        %swap3A_84 = arith.index_cast %scan3A_33 : i32 to index
        %swap3A_85 = arith.constant 48 : index
        %swap3A_86 = tpu.vector_load %arg9[%swap3A_84, %swap3A_85] {strides = array<i32>} : memref<128x128xf32, #tpu.memory_space<vmem>>, vector<1x16xf32>,
        %swap3A_87 = vector.shape_cast %swap3A_86 : vector<1x16xf32> to vector<16xf32>
        %swap3A_88 = vector.shape_cast %add3A_83 : vector<16xf32> to vector<1x16xf32>
        tpu.vector_store %arg9[%swap3A_84, %swap3A_85], %swap3A_88 {strides = array<i32>} : memref<128x128xf32, #tpu.memory_space<vmem>>, vector<1x16xf32>,
        %get3A_89 = arith.index_cast %scan3A_33 : i32 to index
        %get3A_90 = arith.constant 64 : index
        %get3A_91 = tpu.vector_load %arg9[%get3A_89, %get3A_90] {strides = array<i32>} : memref<128x128xf32, #tpu.memory_space<vmem>>, vector<1x16xf32>,
        %get3A_92 = vector.shape_cast %get3A_91 : vector<1x16xf32> to vector<16xf32>
        %get3A_93 = arith.index_cast %scan3A_33 : i32 to index
        %get3A_94 = arith.constant 64 : index
        %get3A_95 = tpu.vector_load %arg10[%get3A_93, %get3A_94] {strides = array<i32>} : memref<128x128xf32, #tpu.memory_space<vmem>>, vector<1x16xf32>,
        %get3A_96 = vector.shape_cast %get3A_95 : vector<1x16xf32> to vector<16xf32>
        %add3A_97 = arith.addf %get3A_92, %get3A_96 : vector<16xf32>
        %swap3A_98 = arith.index_cast %scan3A_33 : i32 to index
        %swap3A_99 = arith.constant 64 : index
        %swap3A_100 = tpu.vector_load %arg9[%swap3A_98, %swap3A_99] {strides = array<i32>} : memref<128x128xf32, #tpu.memory_space<vmem>>, vector<1x16xf32>,
        %swap3A_101 = vector.shape_cast %swap3A_100 : vector<1x16xf32> to vector<16xf32>
        %swap3A_102 = vector.shape_cast %add3A_97 : vector<16xf32> to vector<1x16xf32>
        tpu.vector_store %arg9[%swap3A_98, %swap3A_99], %swap3A_102 {strides = array<i32>} : memref<128x128xf32, #tpu.memory_space<vmem>>, vector<1x16xf32>,
        %get3A_103 = arith.index_cast %scan3A_33 : i32 to index
        %get3A_104 = arith.constant 80 : index
        %get3A_105 = tpu.vector_load %arg9[%get3A_103, %get3A_104] {strides = array<i32>} : memref<128x128xf32, #tpu.memory_space<vmem>>, vector<1x16xf32>,
        %get3A_106 = vector.shape_cast %get3A_105 : vector<1x16xf32> to vector<16xf32>
        %get3A_107 = arith.index_cast %scan3A_33 : i32 to index
        %get3A_108 = arith.constant 80 : index
        %get3A_109 = tpu.vector_load %arg10[%get3A_107, %get3A_108] {strides = array<i32>} : memref<128x128xf32, #tpu.memory_space<vmem>>, vector<1x16xf32>,
        %get3A_110 = vector.shape_cast %get3A_109 : vector<1x16xf32> to vector<16xf32>
        %add3A_111 = arith.addf %get3A_106, %get3A_110 : vector<16xf32>
        %swap3A_112 = arith.index_cast %scan3A_33 : i32 to index
        %swap3A_113 = arith.constant 80 : index
        %swap3A_114 = tpu.vector_load %arg9[%swap3A_112, %swap3A_113] {strides = array<i32>} : memref<128x128xf32, #tpu.memory_space<vmem>>, vector<1x16xf32>,
        %swap3A_115 = vector.shape_cast %swap3A_114 : vector<1x16xf32> to vector<16xf32>
        %swap3A_116 = vector.shape_cast %add3A_111 : vector<16xf32> to vector<1x16xf32>
        tpu.vector_store %arg9[%swap3A_112, %swap3A_113], %swap3A_116 {strides = array<i32>} : memref<128x128xf32, #tpu.memory_space<vmem>>, vector<1x16xf32>,
        %get3A_117 = arith.index_cast %scan3A_33 : i32 to index
        %get3A_118 = arith.constant 96 : index
        %get3A_119 = tpu.vector_load %arg9[%get3A_117, %get3A_118] {strides = array<i32>} : memref<128x128xf32, #tpu.memory_space<vmem>>, vector<1x16xf32>,
        %get3A_120 = vector.shape_cast %get3A_119 : vector<1x16xf32> to vector<16xf32>
        %get3A_121 = arith.index_cast %scan3A_33 : i32 to index
        %get3A_122 = arith.constant 96 : index
        %get3A_123 = tpu.vector_load %arg10[%get3A_121, %get3A_122] {strides = array<i32>} : memref<128x128xf32, #tpu.memory_space<vmem>>, vector<1x16xf32>,
        %get3A_124 = vector.shape_cast %get3A_123 : vector<1x16xf32> to vector<16xf32>
        %add3A_125 = arith.addf %get3A_120, %get3A_124 : vector<16xf32>
        %swap3A_126 = arith.index_cast %scan3A_33 : i32 to index
        %swap3A_127 = arith.constant 96 : index
        %swap3A_128 = tpu.vector_load %arg9[%swap3A_126, %swap3A_127] {strides = array<i32>} : memref<128x128xf32, #tpu.memory_space<vmem>>, vector<1x16xf32>,
        %swap3A_129 = vector.shape_cast %swap3A_128 : vector<1x16xf32> to vector<16xf32>
        %swap3A_130 = vector.shape_cast %add3A_125 : vector<16xf32> to vector<1x16xf32>
        tpu.vector_store %arg9[%swap3A_126, %swap3A_127], %swap3A_130 {strides = array<i32>} : memref<128x128xf32, #tpu.memory_space<vmem>>, vector<1x16xf32>,
        %get3A_131 = arith.index_cast %scan3A_33 : i32 to index
        %get3A_132 = arith.constant 112 : index
        %get3A_133 = tpu.vector_load %arg9[%get3A_131, %get3A_132] {strides = array<i32>} : memref<128x128xf32, #tpu.memory_space<vmem>>, vector<1x16xf32>,
        %get3A_134 = vector.shape_cast %get3A_133 : vector<1x16xf32> to vector<16xf32>
        %get3A_135 = arith.index_cast %scan3A_33 : i32 to index
        %get3A_136 = arith.constant 112 : index
        %get3A_137 = tpu.vector_load %arg10[%get3A_135, %get3A_136] {strides = array<i32>} : memref<128x128xf32, #tpu.memory_space<vmem>>, vector<1x16xf32>,
        %get3A_138 = vector.shape_cast %get3A_137 : vector<1x16xf32> to vector<16xf32>
        %add3A_139 = arith.addf %get3A_134, %get3A_138 : vector<16xf32>
        %swap3A_140 = arith.index_cast %scan3A_33 : i32 to index
        %swap3A_141 = arith.constant 112 : index
        %swap3A_142 = tpu.vector_load %arg9[%swap3A_140, %swap3A_141] {strides = array<i32>} : memref<128x128xf32, #tpu.memory_space<vmem>>, vector<1x16xf32>,
        %swap3A_143 = vector.shape_cast %swap3A_142 : vector<1x16xf32> to vector<16xf32>
        %swap3A_144 = vector.shape_cast %add3A_139 : vector<16xf32> to vector<1x16xf32>
        tpu.vector_store %arg9[%swap3A_140, %swap3A_141], %swap3A_144 {strides = array<i32>} : memref<128x128xf32, #tpu.memory_space<vmem>>, vector<1x16xf32>,
        %scan3A_145 = arith.constant 0 : i32
        scf.yield %scan3A_145 : i32
      }
      %scan3A_31 = arith.constant 128 : i32
      "tpu.region"() ({
        %run_scoped3A = tpu.sem_alloc : memref<!tpu.dma_semaphore, #tpu.memory_space<semaphore_mem>>
        %dma_start3A_33 = arith.constant 0 : i32
        %dma_start3A_34 = tpu.memref_slice %arg6[%multiple_of3A_14, %dma_start3A_33] : memref<323584x128xf32, #tpu.memory_space<hbm>> -> memref<128x128xf32, #tpu.memory_space<hbm>>
        %dma_start3A_35 = arith.constant 0 : i32
        %dma_start3A_36 = tpu.memref_slice %arg6[%multiple_of3A_14, %dma_start3A_35] : memref<323584x128xf32, #tpu.memory_space<hbm>> -> memref<128x128xf32, #tpu.memory_space<hbm>>
        tpu.enqueue_dma source(%arg9 : memref<128x128xf32, #tpu.memory_space<vmem>>) target(%dma_start3A_36 : memref<128x128xf32, #tpu.memory_space<hbm>>) target_semaphore(%run_scoped3A : memref<!tpu.dma_semaphore, #tpu.memory_space<semaphore_mem>>)
        %dma_wait3A_37 = arith.constant 0 : i32
        %dma_wait3A_38 = tpu.memref_slice %arg6[%multiple_of3A_14, %dma_wait3A_37] : memref<323584x128xf32, #tpu.memory_space<hbm>> -> memref<128x128xf32, #tpu.memory_space<hbm>>
        %dma_wait3A_39 = arith.constant 0 : i32
        %dma_wait3A_40 = tpu.memref_slice %arg6[%multiple_of3A_14, %dma_wait3A_39] : memref<323584x128xf32, #tpu.memory_space<hbm>> -> memref<128x128xf32, #tpu.memory_space<hbm>>
        tpu.wait_dma2 semaphore(%run_scoped3A : memref<!tpu.dma_semaphore, #tpu.memory_space<semaphore_mem>>) src(%arg9 : memref<128x128xf32, #tpu.memory_space<vmem>>) dst(%dma_wait3A_40 : memref<128x128xf32, #tpu.memory_space<hbm>>)
        tpu.yield
      }) : () -> ()
      %scan3A_32 = arith.constant 0 : i32
      scf.yield %scan3A_32 : i32
    }
    %scan3A_8 = arith.constant 79 : i32
    return
  }
}

#map = affine_map<(d0, d1) -> (0, 0)>
#map1 = affine_map<(d0, d1) -> (0)>
#map2 = affine_map<(d0, d1) -> (0, 0, 0)>
module attributes {stable_mosaic.version = 14 : i64} {
  func.func @_p3b(%arg0: i32, %arg1: i32, %arg2: memref<323584x32xf32, #tpu.memory_space<hbm>>, %arg3: memref<323584xi32, #tpu.memory_space<hbm>>, %arg4: memref<2x10176x128xf32, #tpu.memory_space<hbm>>, %arg5: memref<128xi32, #tpu.memory_space<vmem>>, %arg6: memref<128x32xf32, #tpu.memory_space<vmem>>, %arg7: memref<128x128xf32, #tpu.memory_space<vmem>>, %arg8: memref<10176x128xf32, #tpu.memory_space<vmem_shared>>) attributes {dimension_semantics = [#tpu.dimension_semantics<core_parallel>, #tpu.dimension_semantics<subcore_parallel>], iteration_bounds = array<i64: 2, 16>, scalar_prefetch = 0 : i64, scratch_operands = 4 : i64, tpu.core_type = #tpu.core_type<sc_vector_subcore>, window_params = [{transform_indices = #map}, {transform_indices = #map1}, {transform_indices = #map2}]} {
    %mul3A = arith.constant 2 : i32
    %mul3A_0 = arith.muli %arg1, %mul3A : i32
    %add3A = arith.addi %mul3A_0, %arg0 : i32
    %mul3A_1 = arith.constant 10112 : i32
    %mul3A_2 = arith.muli %add3A, %mul3A_1 : i32
    %multiple_of3A = tpu.assume_multiple %mul3A_2, 128 : i32
    %broadcast_in_dim3A = arith.constant 0.000000e+00 : f32
    %broadcast_in_dim3A_3 = vector.broadcast %broadcast_in_dim3A : f32 to vector<16xf32>
    %scan3A = arith.constant 0 : i32
    %scan3A_4 = arith.constant 0 : i32
    %scan3A_5 = arith.constant 128 : i32
    %scan3A_6 = arith.addi %scan3A_4, %scan3A_5 : i32
    %scan3A_7 = arith.constant 1 : i32
    %scan3A_8 = scf.for %scan3A_31 = %scan3A_4 to %scan3A_6 step %scan3A_7 iter_args(%scan3A_32 = %scan3A) -> (i32)  : i32 {
      %swap3A = arith.index_cast %scan3A_31 : i32 to index
      %swap3A_33 = arith.constant 0 : index
      %swap3A_34 = tpu.vector_load %arg7[%swap3A, %swap3A_33] {strides = array<i32>} : memref<128x128xf32, #tpu.memory_space<vmem>>, vector<1x16xf32>,
      %swap3A_35 = vector.shape_cast %swap3A_34 : vector<1x16xf32> to vector<16xf32>
      %swap3A_36 = vector.shape_cast %broadcast_in_dim3A_3 : vector<16xf32> to vector<1x16xf32>
      tpu.vector_store %arg7[%swap3A, %swap3A_33], %swap3A_36 {strides = array<i32>} : memref<128x128xf32, #tpu.memory_space<vmem>>, vector<1x16xf32>,
      %swap3A_37 = arith.index_cast %scan3A_31 : i32 to index
      %swap3A_38 = arith.constant 16 : index
      %swap3A_39 = tpu.vector_load %arg7[%swap3A_37, %swap3A_38] {strides = array<i32>} : memref<128x128xf32, #tpu.memory_space<vmem>>, vector<1x16xf32>,
      %swap3A_40 = vector.shape_cast %swap3A_39 : vector<1x16xf32> to vector<16xf32>
      %swap3A_41 = vector.shape_cast %broadcast_in_dim3A_3 : vector<16xf32> to vector<1x16xf32>
      tpu.vector_store %arg7[%swap3A_37, %swap3A_38], %swap3A_41 {strides = array<i32>} : memref<128x128xf32, #tpu.memory_space<vmem>>, vector<1x16xf32>,
      %swap3A_42 = arith.index_cast %scan3A_31 : i32 to index
      %swap3A_43 = arith.constant 32 : index
      %swap3A_44 = tpu.vector_load %arg7[%swap3A_42, %swap3A_43] {strides = array<i32>} : memref<128x128xf32, #tpu.memory_space<vmem>>, vector<1x16xf32>,
      %swap3A_45 = vector.shape_cast %swap3A_44 : vector<1x16xf32> to vector<16xf32>
      %swap3A_46 = vector.shape_cast %broadcast_in_dim3A_3 : vector<16xf32> to vector<1x16xf32>
      tpu.vector_store %arg7[%swap3A_42, %swap3A_43], %swap3A_46 {strides = array<i32>} : memref<128x128xf32, #tpu.memory_space<vmem>>, vector<1x16xf32>,
      %swap3A_47 = arith.index_cast %scan3A_31 : i32 to index
      %swap3A_48 = arith.constant 48 : index
      %swap3A_49 = tpu.vector_load %arg7[%swap3A_47, %swap3A_48] {strides = array<i32>} : memref<128x128xf32, #tpu.memory_space<vmem>>, vector<1x16xf32>,
      %swap3A_50 = vector.shape_cast %swap3A_49 : vector<1x16xf32> to vector<16xf32>
      %swap3A_51 = vector.shape_cast %broadcast_in_dim3A_3 : vector<16xf32> to vector<1x16xf32>
      tpu.vector_store %arg7[%swap3A_47, %swap3A_48], %swap3A_51 {strides = array<i32>} : memref<128x128xf32, #tpu.memory_space<vmem>>, vector<1x16xf32>,
      %swap3A_52 = arith.index_cast %scan3A_31 : i32 to index
      %swap3A_53 = arith.constant 64 : index
      %swap3A_54 = tpu.vector_load %arg7[%swap3A_52, %swap3A_53] {strides = array<i32>} : memref<128x128xf32, #tpu.memory_space<vmem>>, vector<1x16xf32>,
      %swap3A_55 = vector.shape_cast %swap3A_54 : vector<1x16xf32> to vector<16xf32>
      %swap3A_56 = vector.shape_cast %broadcast_in_dim3A_3 : vector<16xf32> to vector<1x16xf32>
      tpu.vector_store %arg7[%swap3A_52, %swap3A_53], %swap3A_56 {strides = array<i32>} : memref<128x128xf32, #tpu.memory_space<vmem>>, vector<1x16xf32>,
      %swap3A_57 = arith.index_cast %scan3A_31 : i32 to index
      %swap3A_58 = arith.constant 80 : index
      %swap3A_59 = tpu.vector_load %arg7[%swap3A_57, %swap3A_58] {strides = array<i32>} : memref<128x128xf32, #tpu.memory_space<vmem>>, vector<1x16xf32>,
      %swap3A_60 = vector.shape_cast %swap3A_59 : vector<1x16xf32> to vector<16xf32>
      %swap3A_61 = vector.shape_cast %broadcast_in_dim3A_3 : vector<16xf32> to vector<1x16xf32>
      tpu.vector_store %arg7[%swap3A_57, %swap3A_58], %swap3A_61 {strides = array<i32>} : memref<128x128xf32, #tpu.memory_space<vmem>>, vector<1x16xf32>,
      %swap3A_62 = arith.index_cast %scan3A_31 : i32 to index
      %swap3A_63 = arith.constant 96 : index
      %swap3A_64 = tpu.vector_load %arg7[%swap3A_62, %swap3A_63] {strides = array<i32>} : memref<128x128xf32, #tpu.memory_space<vmem>>, vector<1x16xf32>,
      %swap3A_65 = vector.shape_cast %swap3A_64 : vector<1x16xf32> to vector<16xf32>
      %swap3A_66 = vector.shape_cast %broadcast_in_dim3A_3 : vector<16xf32> to vector<1x16xf32>
      tpu.vector_store %arg7[%swap3A_62, %swap3A_63], %swap3A_66 {strides = array<i32>} : memref<128x128xf32, #tpu.memory_space<vmem>>, vector<1x16xf32>,
      %swap3A_67 = arith.index_cast %scan3A_31 : i32 to index
      %swap3A_68 = arith.constant 112 : index
      %swap3A_69 = tpu.vector_load %arg7[%swap3A_67, %swap3A_68] {strides = array<i32>} : memref<128x128xf32, #tpu.memory_space<vmem>>, vector<1x16xf32>,
      %swap3A_70 = vector.shape_cast %swap3A_69 : vector<1x16xf32> to vector<16xf32>
      %swap3A_71 = vector.shape_cast %broadcast_in_dim3A_3 : vector<16xf32> to vector<1x16xf32>
      tpu.vector_store %arg7[%swap3A_67, %swap3A_68], %swap3A_71 {strides = array<i32>} : memref<128x128xf32, #tpu.memory_space<vmem>>, vector<1x16xf32>,
      %scan3A_72 = arith.constant 0 : i32
      scf.yield %scan3A_72 : i32
    }
    %scan3A_9 = arith.constant 128 : i32
    %mul3A_10 = arith.constant 636 : i32
    %mul3A_11 = arith.muli %arg1, %mul3A_10 : i32
    %scan3A_12 = arith.constant 0 : i32
    %scan3A_13 = arith.constant 0 : i32
    %scan3A_14 = arith.constant 4 : i32
    %scan3A_15 = arith.addi %scan3A_13, %scan3A_14 : i32
    %scan3A_16 = arith.constant 1 : i32
    %scan3A_17 = scf.for %scan3A_31 = %scan3A_13 to %scan3A_15 step %scan3A_16 iter_args(%scan3A_32 = %scan3A_12) -> (i32)  : i32 {
      %mul3A_33 = arith.constant 128 : i32
      %mul3A_34 = arith.muli %scan3A_31, %mul3A_33 : i32
      %add3A_35 = arith.addi %mul3A_11, %mul3A_34 : i32
      "tpu.region"() ({
        %run_scoped3A = tpu.sem_alloc : memref<!tpu.dma_semaphore, #tpu.memory_space<semaphore_mem>>
        %dma_start3A = arith.constant 0 : i32
        %dma_start3A_37 = tpu.memref_slice %arg8[%add3A_35, %dma_start3A] : memref<10176x128xf32, #tpu.memory_space<vmem_shared>> -> memref<128x128xf32, #tpu.memory_space<vmem_shared>>
        %dma_start3A_38 = arith.constant 0 : i32
        %dma_start3A_39 = tpu.memref_slice %arg8[%add3A_35, %dma_start3A_38] : memref<10176x128xf32, #tpu.memory_space<vmem_shared>> -> memref<128x128xf32, #tpu.memory_space<vmem_shared>>
        tpu.enqueue_dma source(%arg7 : memref<128x128xf32, #tpu.memory_space<vmem>>) target(%dma_start3A_39 : memref<128x128xf32, #tpu.memory_space<vmem_shared>>) target_semaphore(%run_scoped3A : memref<!tpu.dma_semaphore, #tpu.memory_space<semaphore_mem>>)
        %dma_wait3A = arith.constant 0 : i32
        %dma_wait3A_40 = tpu.memref_slice %arg8[%add3A_35, %dma_wait3A] : memref<10176x128xf32, #tpu.memory_space<vmem_shared>> -> memref<128x128xf32, #tpu.memory_space<vmem_shared>>
        %dma_wait3A_41 = arith.constant 0 : i32
        %dma_wait3A_42 = tpu.memref_slice %arg8[%add3A_35, %dma_wait3A_41] : memref<10176x128xf32, #tpu.memory_space<vmem_shared>> -> memref<128x128xf32, #tpu.memory_space<vmem_shared>>
        tpu.wait_dma2 semaphore(%run_scoped3A : memref<!tpu.dma_semaphore, #tpu.memory_space<semaphore_mem>>) src(%arg7 : memref<128x128xf32, #tpu.memory_space<vmem>>) dst(%dma_wait3A_42 : memref<128x128xf32, #tpu.memory_space<vmem_shared>>)
        tpu.yield
      }) : () -> ()
      %scan3A_36 = arith.constant 0 : i32
      scf.yield %scan3A_36 : i32
    }
    %scan3A_18 = arith.constant 4 : i32
    %add3A_19 = arith.constant 512 : i32
    %add3A_20 = arith.addi %mul3A_11, %add3A_19 : i32
    "tpu.region"() ({
      %run_scoped3A = tpu.sem_alloc : memref<!tpu.dma_semaphore, #tpu.memory_space<semaphore_mem>>
      %dma_start3A = arith.constant 0 : i32
      %dma_start3A_31 = arith.constant 0 : i32
      %dma_start3A_32 = tpu.memref_slice %arg7[%dma_start3A, %dma_start3A_31] : memref<128x128xf32, #tpu.memory_space<vmem>> -> memref<124x128xf32, #tpu.memory_space<vmem>>
      %dma_start3A_33 = arith.constant 0 : i32
      %dma_start3A_34 = tpu.memref_slice %arg8[%add3A_20, %dma_start3A_33] : memref<10176x128xf32, #tpu.memory_space<vmem_shared>> -> memref<124x128xf32, #tpu.memory_space<vmem_shared>>
      %dma_start3A_35 = arith.constant 0 : i32
      %dma_start3A_36 = tpu.memref_slice %arg8[%add3A_20, %dma_start3A_35] : memref<10176x128xf32, #tpu.memory_space<vmem_shared>> -> memref<124x128xf32, #tpu.memory_space<vmem_shared>>
      %dma_start3A_37 = arith.constant 0 : i32
      %dma_start3A_38 = arith.constant 0 : i32
      %dma_start3A_39 = tpu.memref_slice %arg7[%dma_start3A_37, %dma_start3A_38] : memref<128x128xf32, #tpu.memory_space<vmem>> -> memref<124x128xf32, #tpu.memory_space<vmem>>
      tpu.enqueue_dma source(%dma_start3A_39 : memref<124x128xf32, #tpu.memory_space<vmem>>) target(%dma_start3A_36 : memref<124x128xf32, #tpu.memory_space<vmem_shared>>) target_semaphore(%run_scoped3A : memref<!tpu.dma_semaphore, #tpu.memory_space<semaphore_mem>>)
      %dma_wait3A = arith.constant 0 : i32
      %dma_wait3A_40 = arith.constant 0 : i32
      %dma_wait3A_41 = tpu.memref_slice %arg7[%dma_wait3A, %dma_wait3A_40] : memref<128x128xf32, #tpu.memory_space<vmem>> -> memref<124x128xf32, #tpu.memory_space<vmem>>
      %dma_wait3A_42 = arith.constant 0 : i32
      %dma_wait3A_43 = tpu.memref_slice %arg8[%add3A_20, %dma_wait3A_42] : memref<10176x128xf32, #tpu.memory_space<vmem_shared>> -> memref<124x128xf32, #tpu.memory_space<vmem_shared>>
      %dma_wait3A_44 = arith.constant 0 : i32
      %dma_wait3A_45 = tpu.memref_slice %arg8[%add3A_20, %dma_wait3A_44] : memref<10176x128xf32, #tpu.memory_space<vmem_shared>> -> memref<124x128xf32, #tpu.memory_space<vmem_shared>>
      %dma_wait3A_46 = arith.constant 0 : i32
      %dma_wait3A_47 = arith.constant 0 : i32
      %dma_wait3A_48 = tpu.memref_slice %arg7[%dma_wait3A_46, %dma_wait3A_47] : memref<128x128xf32, #tpu.memory_space<vmem>> -> memref<124x128xf32, #tpu.memory_space<vmem>>
      tpu.wait_dma2 semaphore(%run_scoped3A : memref<!tpu.dma_semaphore, #tpu.memory_space<semaphore_mem>>) src(%dma_wait3A_48 : memref<124x128xf32, #tpu.memory_space<vmem>>) dst(%dma_wait3A_45 : memref<124x128xf32, #tpu.memory_space<vmem_shared>>)
      tpu.yield
    }) : () -> ()
    %barrier3A = arith.constant 0 : index
    tpu.barrier barrier_id(%barrier3A)
    %scan3A_21 = arith.constant 0 : i32
    %scan3A_22 = arith.constant 0 : i32
    %scan3A_23 = arith.constant 79 : i32
    %scan3A_24 = arith.addi %scan3A_22, %scan3A_23 : i32
    %scan3A_25 = arith.constant 1 : i32
    %scan3A_26 = scf.for %scan3A_31 = %scan3A_22 to %scan3A_24 step %scan3A_25 iter_args(%scan3A_32 = %scan3A_21) -> (i32)  : i32 {
      %mul3A_33 = arith.constant 128 : i32
      %mul3A_34 = arith.muli %scan3A_31, %mul3A_33 : i32
      %add3A_35 = arith.addi %multiple_of3A, %mul3A_34 : i32
      %multiple_of3A_36 = tpu.assume_multiple %add3A_35, 128 : i32
      "tpu.region"() ({
        %run_scoped3A = tpu.sem_alloc : memref<!tpu.dma_semaphore, #tpu.memory_space<semaphore_mem>>
        %dma_start3A = tpu.memref_slice %arg3[%multiple_of3A_36] : memref<323584xi32, #tpu.memory_space<hbm>> -> memref<128xi32, #tpu.memory_space<hbm>>
        %dma_start3A_45 = tpu.memref_slice %arg3[%multiple_of3A_36] : memref<323584xi32, #tpu.memory_space<hbm>> -> memref<128xi32, #tpu.memory_space<hbm>>
        tpu.enqueue_dma source(%dma_start3A_45 : memref<128xi32, #tpu.memory_space<hbm>>) target(%arg5 : memref<128xi32, #tpu.memory_space<vmem>>) target_semaphore(%run_scoped3A : memref<!tpu.dma_semaphore, #tpu.memory_space<semaphore_mem>>)
        %dma_wait3A = tpu.memref_slice %arg3[%multiple_of3A_36] : memref<323584xi32, #tpu.memory_space<hbm>> -> memref<128xi32, #tpu.memory_space<hbm>>
        %dma_wait3A_46 = tpu.memref_slice %arg3[%multiple_of3A_36] : memref<323584xi32, #tpu.memory_space<hbm>> -> memref<128xi32, #tpu.memory_space<hbm>>
        tpu.wait_dma2 semaphore(%run_scoped3A : memref<!tpu.dma_semaphore, #tpu.memory_space<semaphore_mem>>) src(%dma_wait3A_46 : memref<128xi32, #tpu.memory_space<hbm>>) dst(%arg5 : memref<128xi32, #tpu.memory_space<vmem>>)
        tpu.yield
      }) : () -> ()
      "tpu.region"() ({
        %run_scoped3A = tpu.sem_alloc : memref<!tpu.dma_semaphore, #tpu.memory_space<semaphore_mem>>
        %dma_start3A = arith.constant 0 : i32
        %dma_start3A_45 = tpu.memref_slice %arg2[%multiple_of3A_36, %dma_start3A] : memref<323584x32xf32, #tpu.memory_space<hbm>> -> memref<128x32xf32, #tpu.memory_space<hbm>>
        %dma_start3A_46 = arith.constant 0 : i32
        %dma_start3A_47 = tpu.memref_slice %arg2[%multiple_of3A_36, %dma_start3A_46] : memref<323584x32xf32, #tpu.memory_space<hbm>> -> memref<128x32xf32, #tpu.memory_space<hbm>>
        tpu.enqueue_dma source(%dma_start3A_47 : memref<128x32xf32, #tpu.memory_space<hbm>>) target(%arg6 : memref<128x32xf32, #tpu.memory_space<vmem>>) target_semaphore(%run_scoped3A : memref<!tpu.dma_semaphore, #tpu.memory_space<semaphore_mem>>)
        %dma_wait3A = arith.constant 0 : i32
        %dma_wait3A_48 = tpu.memref_slice %arg2[%multiple_of3A_36, %dma_wait3A] : memref<323584x32xf32, #tpu.memory_space<hbm>> -> memref<128x32xf32, #tpu.memory_space<hbm>>
        %dma_wait3A_49 = arith.constant 0 : i32
        %dma_wait3A_50 = tpu.memref_slice %arg2[%multiple_of3A_36, %dma_wait3A_49] : memref<323584x32xf32, #tpu.memory_space<hbm>> -> memref<128x32xf32, #tpu.memory_space<hbm>>
        tpu.wait_dma2 semaphore(%run_scoped3A : memref<!tpu.dma_semaphore, #tpu.memory_space<semaphore_mem>>) src(%dma_wait3A_50 : memref<128x32xf32, #tpu.memory_space<hbm>>) dst(%arg6 : memref<128x32xf32, #tpu.memory_space<vmem>>)
        tpu.yield
      }) : () -> ()
      %scan3A_37 = arith.constant 0 : i32
      %scan3A_38 = arith.constant 0 : i32
      %scan3A_39 = arith.constant 128 : i32
      %scan3A_40 = arith.addi %scan3A_38, %scan3A_39 : i32
      %scan3A_41 = arith.constant 1 : i32
      %scan3A_42 = scf.for %scan3A_45 = %scan3A_38 to %scan3A_40 step %scan3A_41 iter_args(%scan3A_46 = %scan3A_37) -> (i32)  : i32 {
        %get3A = arith.index_cast %scan3A_45 : i32 to index
        %get3A_47 = arith.constant 0 : index
        %get3A_48 = tpu.vector_load %arg6[%get3A, %get3A_47] {strides = array<i32>} : memref<128x32xf32, #tpu.memory_space<vmem>>, vector<1x16xf32>,
        %get3A_49 = vector.shape_cast %get3A_48 : vector<1x16xf32> to vector<16xf32>
        %swap3A = arith.index_cast %scan3A_45 : i32 to index
        %swap3A_50 = arith.constant 0 : index
        %swap3A_51 = tpu.vector_load %arg7[%swap3A, %swap3A_50] {strides = array<i32>} : memref<128x128xf32, #tpu.memory_space<vmem>>, vector<1x16xf32>,
        %swap3A_52 = vector.shape_cast %swap3A_51 : vector<1x16xf32> to vector<16xf32>
        %swap3A_53 = vector.shape_cast %get3A_49 : vector<16xf32> to vector<1x16xf32>
        tpu.vector_store %arg7[%swap3A, %swap3A_50], %swap3A_53 {strides = array<i32>} : memref<128x128xf32, #tpu.memory_space<vmem>>, vector<1x16xf32>,
        %get3A_54 = arith.index_cast %scan3A_45 : i32 to index
        %get3A_55 = arith.constant 16 : index
        %get3A_56 = tpu.vector_load %arg6[%get3A_54, %get3A_55] {strides = array<i32>} : memref<128x32xf32, #tpu.memory_space<vmem>>, vector<1x16xf32>,
        %get3A_57 = vector.shape_cast %get3A_56 : vector<1x16xf32> to vector<16xf32>
        %swap3A_58 = arith.index_cast %scan3A_45 : i32 to index
        %swap3A_59 = arith.constant 16 : index
        %swap3A_60 = tpu.vector_load %arg7[%swap3A_58, %swap3A_59] {strides = array<i32>} : memref<128x128xf32, #tpu.memory_space<vmem>>, vector<1x16xf32>,
        %swap3A_61 = vector.shape_cast %swap3A_60 : vector<1x16xf32> to vector<16xf32>
        %swap3A_62 = vector.shape_cast %get3A_57 : vector<16xf32> to vector<1x16xf32>
        tpu.vector_store %arg7[%swap3A_58, %swap3A_59], %swap3A_62 {strides = array<i32>} : memref<128x128xf32, #tpu.memory_space<vmem>>, vector<1x16xf32>,
        %scan3A_63 = arith.constant 0 : i32
        scf.yield %scan3A_63 : i32
      }
      %scan3A_43 = arith.constant 128 : i32
      "tpu.region"() ({
        %run_scoped3A = tpu.sem_alloc : memref<!tpu.dma_semaphore, #tpu.memory_space<semaphore_mem>>
        %dma_start3A = arith.constant 0 : i32
        %dma_start3A_45 = arith.constant 0 : i32
        %dma_start3A_46 = tpu.memref_slice %arg8[%dma_start3A, %dma_start3A_45] : memref<10176x128xf32, #tpu.memory_space<vmem_shared>> -> memref<10176x128xf32, #tpu.memory_space<vmem_shared>>
        tpu.enqueue_indirect_dma source(%arg7 : memref<128x128xf32, #tpu.memory_space<vmem>>) target(%dma_start3A_46 : memref<10176x128xf32, #tpu.memory_space<vmem_shared>>) offsets(%arg5 : memref<128xi32, #tpu.memory_space<vmem>>) semaphore(%run_scoped3A : memref<!tpu.dma_semaphore, #tpu.memory_space<semaphore_mem>>) {add = true}
        %dma_wait3A = arith.constant 0 : i32
        %dma_wait3A_47 = arith.constant 0 : i32
        %dma_wait3A_48 = tpu.memref_slice %arg8[%dma_wait3A, %dma_wait3A_47] : memref<10176x128xf32, #tpu.memory_space<vmem_shared>> -> memref<10176x128xf32, #tpu.memory_space<vmem_shared>>
        tpu.wait_indirect_dma semaphore(%run_scoped3A : memref<!tpu.dma_semaphore, #tpu.memory_space<semaphore_mem>>) src(%arg7 : memref<128x128xf32, #tpu.memory_space<vmem>>) dst(%dma_wait3A_48 : memref<10176x128xf32, #tpu.memory_space<vmem_shared>>)
        tpu.yield
      }) : () -> ()
      %scan3A_44 = arith.constant 0 : i32
      scf.yield %scan3A_44 : i32
    }
    %scan3A_27 = arith.constant 79 : i32
    %barrier3A_28 = arith.constant 0 : index
    tpu.barrier barrier_id(%barrier3A_28)
    %eq3A = arith.constant 0 : i32
    %eq3A_29 = arith.cmpi eq, %arg1, %eq3A : i32
    %convert_element_type3A = arith.extui %eq3A_29 : i1 to i32
    %cond3A = arith.constant 0 : i32
    %cond3A_30 = arith.cmpi ne, %convert_element_type3A, %cond3A : i32
    scf.if %cond3A_30 {
      "tpu.region"() ({
        %run_scoped3A = tpu.sem_alloc : memref<!tpu.dma_semaphore, #tpu.memory_space<semaphore_mem>>
        %dma_start3A = arith.constant 0 : i32
        %dma_start3A_31 = arith.constant 0 : i32
        %dma_start3A_32 = tpu.memref_slice %arg4[%arg0, %dma_start3A, %dma_start3A_31] : memref<2x10176x128xf32, #tpu.memory_space<hbm>> -> memref<1x10176x128xf32, #tpu.memory_space<hbm>>
        %dma_start3A_33 = tpu.memref_squeeze %dma_start3A_32 : memref<1x10176x128xf32, #tpu.memory_space<hbm>> -> memref<10176x128xf32, #tpu.memory_space<hbm>>
        tpu.enqueue_dma source(%arg8 : memref<10176x128xf32, #tpu.memory_space<vmem_shared>>) target(%dma_start3A_33 : memref<10176x128xf32, #tpu.memory_space<hbm>>) target_semaphore(%run_scoped3A : memref<!tpu.dma_semaphore, #tpu.memory_space<semaphore_mem>>)
        %dma_wait3A = arith.constant 0 : i32
        %dma_wait3A_34 = arith.constant 0 : i32
        %dma_wait3A_35 = tpu.memref_slice %arg4[%arg0, %dma_wait3A, %dma_wait3A_34] : memref<2x10176x128xf32, #tpu.memory_space<hbm>> -> memref<1x10176x128xf32, #tpu.memory_space<hbm>>
        %dma_wait3A_36 = tpu.memref_squeeze %dma_wait3A_35 : memref<1x10176x128xf32, #tpu.memory_space<hbm>> -> memref<10176x128xf32, #tpu.memory_space<hbm>>
        tpu.wait_dma2 semaphore(%run_scoped3A : memref<!tpu.dma_semaphore, #tpu.memory_space<semaphore_mem>>) src(%arg8 : memref<10176x128xf32, #tpu.memory_space<vmem_shared>>) dst(%dma_wait3A_36 : memref<10176x128xf32, #tpu.memory_space<hbm>>)
        tpu.yield
      }) : () -> ()
    } else {
    }
    return
  }
}

module attributes {stable_mosaic.version = 14 : i64} {
  func.func @_p0_body(%arg0: i32, %arg1: memref<200x128xf32, #tpu.memory_space<vmem>>, %arg2: memref<200x16xf32, #tpu.memory_space<vmem>>, %arg3: memref<128x384xf32, #tpu.memory_space<vmem>>, %arg4: memref<16x32xf32, #tpu.memory_space<vmem>>, %arg5: memref<32x128xf32, #tpu.memory_space<vmem>>, %arg6: memref<1x384xf32, #tpu.memory_space<vmem>>, %arg7: memref<200x384xf32, #tpu.memory_space<vmem>>) attributes {dimension_semantics = [#tpu.dimension_semantics<arbitrary>], iteration_bounds = array<i64: 50>, scalar_prefetch = 0 : i64, scratch_operands = 0 : i64, tpu.core_type = #tpu.core_type<tc>, window_params = [{transform_indices = @transform_0, window_bounds = array<i64: 200, 128>}, {transform_indices = @transform_1, window_bounds = array<i64: 200, 16>}, {pipeline_mode = #tpu.pipeline_mode<synchronous>, transform_indices = @transform_2, window_bounds = array<i64: 128, 384>}, {pipeline_mode = #tpu.pipeline_mode<synchronous>, transform_indices = @transform_3, window_bounds = array<i64: 16, 32>}, {pipeline_mode = #tpu.pipeline_mode<synchronous>, transform_indices = @transform_4, window_bounds = array<i64: 32, 128>}, {pipeline_mode = #tpu.pipeline_mode<synchronous>, transform_indices = @transform_5, window_bounds = array<i64: 1, 384>}, {transform_indices = @transform_6, window_bounds = array<i64: 200, 384>}]} {
    %get3A = arith.constant 0 : index
    %get3A_0 = arith.constant 0 : index
    %get3A_1 = vector.load %arg4[%get3A, %get3A_0] : memref<16x32xf32, #tpu.memory_space<vmem>>, vector<16x32xf32>
    %get3A_2 = arith.constant 0 : index
    %get3A_3 = arith.constant 0 : index
    %get3A_4 = vector.load %arg5[%get3A_2, %get3A_3] : memref<32x128xf32, #tpu.memory_space<vmem>>, vector<32x128xf32>
    %dot_general3A = arith.constant dense<0.000000e+00> : vector<16x128xf32>
    %dot_general3A_5 = tpu.matmul %get3A_1, %get3A_4, %dot_general3A {dimension_numbers = #tpu.dot_dimension_numbers<[1], [0], [0], [1], [0, 0, 1, 1], [], []>, transpose_lhs_hint = false} : vector<16x32xf32>, vector<32x128xf32>, vector<16x128xf32> -> vector<16x128xf32>
    %get3A_6 = arith.constant 0 : index
    %get3A_7 = arith.constant 0 : index
    %get3A_8 = vector.load %arg2[%get3A_6, %get3A_7] : memref<200x16xf32, #tpu.memory_space<vmem>>, vector<200x16xf32>
    %dot_general3A_9 = arith.constant dense<0.000000e+00> : vector<200x128xf32>
    %dot_general3A_10 = tpu.matmul %get3A_8, %dot_general3A_5, %dot_general3A_9 {dimension_numbers = #tpu.dot_dimension_numbers<[1], [0], [0], [1], [0, 0, 1, 1], [], []>, transpose_lhs_hint = false} : vector<200x16xf32>, vector<16x128xf32>, vector<200x128xf32> -> vector<200x128xf32>
    %broadcast_in_dim3A = arith.constant 0.000000e+00 : f32
    %broadcast_in_dim3A_11 = vector.broadcast %broadcast_in_dim3A : f32 to vector<200x256xf32>
    %get3A_12 = arith.constant 0 : index
    %get3A_13 = arith.constant 0 : index
    %get3A_14 = vector.load %arg1[%get3A_12, %get3A_13] : memref<200x128xf32, #tpu.memory_space<vmem>>, vector<200x128xf32>
    %get3A_15 = arith.constant 0 : index
    %get3A_16 = arith.constant 0 : index
    %get3A_17 = vector.load %arg3[%get3A_15, %get3A_16] : memref<128x384xf32, #tpu.memory_space<vmem>>, vector<128x384xf32>
    %dot_general3A_18 = arith.constant dense<0.000000e+00> : vector<200x384xf32>
    %dot_general3A_19 = tpu.matmul %get3A_14, %get3A_17, %dot_general3A_18 {dimension_numbers = #tpu.dot_dimension_numbers<[1], [0], [0], [1], [0, 0, 1, 1], [], []>, transpose_lhs_hint = false} : vector<200x128xf32>, vector<128x384xf32>, vector<200x384xf32> -> vector<200x384xf32>
    %get3A_20 = arith.constant 0 : index
    %get3A_21 = arith.constant 0 : index
    %get3A_22 = vector.load %arg6[%get3A_20, %get3A_21] : memref<1x384xf32, #tpu.memory_space<vmem>>, vector<1x384xf32>
    %add3A = vector.broadcast %get3A_22 : vector<1x384xf32> to vector<200x384xf32>
    %add3A_23 = arith.addf %dot_general3A_19, %add3A : vector<200x384xf32>
    %concatenate3A = tpu.concatenate %dot_general3A_10, %broadcast_in_dim3A_11 in 1 : vector<200x128xf32>, vector<200x256xf32> -> vector<200x384xf32>
    %add3A_24 = arith.addf %add3A_23, %concatenate3A : vector<200x384xf32>
    %swap3A = arith.constant 0 : index
    %swap3A_25 = arith.constant 0 : index
    %swap3A_26 = vector.load %arg7[%swap3A, %swap3A_25] : memref<200x384xf32, #tpu.memory_space<vmem>>, vector<200x384xf32>
    tpu.vector_store %arg7[%swap3A, %swap3A_25], %add3A_24 {strides = array<i32>} : memref<200x384xf32, #tpu.memory_space<vmem>>, vector<200x384xf32>,
    return
  }
  func.func @transform_0(%arg0: i32) -> (i32, i32) {
    %c0_i32 = arith.constant 0 : i32
    %c0_i32_0 = arith.constant 0 : i32
    return %arg0, %c0_i32 : i32, i32
  }
  func.func @transform_1(%arg0: i32) -> (i32, i32) {
    %c0_i32 = arith.constant 0 : i32
    %c0_i32_0 = arith.constant 0 : i32
    return %arg0, %c0_i32 : i32, i32
  }
  func.func @transform_2(%arg0: i32) -> (i32, i32) {
    %c0_i32 = arith.constant 0 : i32
    %c0_i32_0 = arith.constant 0 : i32
    %c0_i32_1 = arith.constant 0 : i32
    return %c0_i32, %c0_i32_0 : i32, i32
  }
  func.func @transform_3(%arg0: i32) -> (i32, i32) {
    %c0_i32 = arith.constant 0 : i32
    %c0_i32_0 = arith.constant 0 : i32
    %c0_i32_1 = arith.constant 0 : i32
    return %c0_i32, %c0_i32_0 : i32, i32
  }
  func.func @transform_4(%arg0: i32) -> (i32, i32) {
    %c0_i32 = arith.constant 0 : i32
    %c0_i32_0 = arith.constant 0 : i32
    %c0_i32_1 = arith.constant 0 : i32
    return %c0_i32, %c0_i32_0 : i32, i32
  }
  func.func @transform_5(%arg0: i32) -> (i32, i32) {
    %c0_i32 = arith.constant 0 : i32
    %c0_i32_0 = arith.constant 0 : i32
    %c0_i32_1 = arith.constant 0 : i32
    return %c0_i32, %c0_i32_0 : i32, i32
  }
  func.func @transform_6(%arg0: i32) -> (i32, i32) {
    %c0_i32 = arith.constant 0 : i32
    %c0_i32_0 = arith.constant 0 : i32
    return %arg0, %c0_i32 : i32, i32
  }
}

module attributes {stable_mosaic.version = 14 : i64} {
  func.func @_p2_body(%arg0: i32, %arg1: memref<512x128xf32, #tpu.memory_space<vmem>>, %arg2: memref<512x16xf32, #tpu.memory_space<vmem>>, %arg3: memref<16x128xf32, #tpu.memory_space<vmem>>, %arg4: memref<128x16xf32, #tpu.memory_space<vmem>>, %arg5: memref<16x128xf32, #tpu.memory_space<vmem>>, %arg6: memref<1x16xf32, #tpu.memory_space<vmem>>, %arg7: memref<512x16xf32, #tpu.memory_space<vmem>>, %arg8: memref<512x32xf32, #tpu.memory_space<vmem>>, %arg9: memref<512x128xf32, #tpu.memory_space<vmem>>) attributes {dimension_semantics = [#tpu.dimension_semantics<arbitrary>], iteration_bounds = array<i64: 632>, scalar_prefetch = 0 : i64, scratch_operands = 0 : i64, tpu.core_type = #tpu.core_type<tc>, window_params = [{transform_indices = @transform_0, window_bounds = array<i64: 512, 128>}, {transform_indices = @transform_1, window_bounds = array<i64: 512, 16>}, {pipeline_mode = #tpu.pipeline_mode<synchronous>, transform_indices = @transform_2, window_bounds = array<i64: 16, 128>}, {pipeline_mode = #tpu.pipeline_mode<synchronous>, transform_indices = @transform_3, window_bounds = array<i64: 128, 16>}, {pipeline_mode = #tpu.pipeline_mode<synchronous>, transform_indices = @transform_4, window_bounds = array<i64: 16, 128>}, {pipeline_mode = #tpu.pipeline_mode<synchronous>, transform_indices = @transform_5, window_bounds = array<i64: 1, 16>}, {transform_indices = @transform_6, window_bounds = array<i64: 512, 16>}, {transform_indices = @transform_7, window_bounds = array<i64: 512, 32>}, {transform_indices = @transform_8, window_bounds = array<i64: 512, 128>}]} {
    %get3A = arith.constant 0 : index
    %get3A_0 = arith.constant 0 : index
    %get3A_1 = vector.load %arg1[%get3A, %get3A_0] : memref<512x128xf32, #tpu.memory_space<vmem>>, vector<512x128xf32>
    %get3A_2 = arith.constant 0 : index
    %get3A_3 = arith.constant 0 : index
    %get3A_4 = vector.load %arg2[%get3A_2, %get3A_3] : memref<512x16xf32, #tpu.memory_space<vmem>>, vector<512x16xf32>
    %get3A_5 = arith.constant 0 : index
    %get3A_6 = arith.constant 0 : index
    %get3A_7 = vector.load %arg3[%get3A_5, %get3A_6] : memref<16x128xf32, #tpu.memory_space<vmem>>, vector<16x128xf32>
    %dot_general3A = arith.constant dense<0.000000e+00> : vector<512x128xf32>
    %dot_general3A_8 = tpu.matmul %get3A_4, %get3A_7, %dot_general3A {dimension_numbers = #tpu.dot_dimension_numbers<[1], [0], [0], [1], [0, 0, 1, 1], [], []>, transpose_lhs_hint = false} : vector<512x16xf32>, vector<16x128xf32>, vector<512x128xf32> -> vector<512x128xf32>
    %add3A = arith.addf %get3A_1, %dot_general3A_8 : vector<512x128xf32>
    %max3A = arith.constant 0.000000e+00 : f32
    %max3A_9 = vector.broadcast %max3A : f32 to vector<512x128xf32>
    %max3A_10 = arith.maximumf %add3A, %max3A_9 : vector<512x128xf32>
    %get3A_11 = arith.constant 0 : index
    %get3A_12 = arith.constant 0 : index
    %get3A_13 = vector.load %arg4[%get3A_11, %get3A_12] : memref<128x16xf32, #tpu.memory_space<vmem>>, vector<128x16xf32>
    %dot_general3A_14 = arith.constant dense<0.000000e+00> : vector<512x16xf32>
    %dot_general3A_15 = tpu.matmul %max3A_10, %get3A_13, %dot_general3A_14 {dimension_numbers = #tpu.dot_dimension_numbers<[1], [0], [0], [1], [0, 0, 1, 1], [], []>, transpose_lhs_hint = false} : vector<512x128xf32>, vector<128x16xf32>, vector<512x16xf32> -> vector<512x16xf32>
    %get3A_16 = arith.constant 0 : index
    %get3A_17 = arith.constant 0 : index
    %get3A_18 = vector.load %arg6[%get3A_16, %get3A_17] : memref<1x16xf32, #tpu.memory_space<vmem>>, vector<1x16xf32>
    %add3A_19 = vector.broadcast %get3A_18 : vector<1x16xf32> to vector<512x16xf32>
    %add3A_20 = arith.addf %dot_general3A_15, %add3A_19 : vector<512x16xf32>
    %lt3A = arith.constant 625 : i32
    %lt3A_21 = arith.cmpi slt, %arg0, %lt3A : i32
    %convert_element_type3A = arith.extui %lt3A_21 : i1 to i32
    %cond3A = arith.constant 0 : i32
    %cond3A_22 = arith.cmpi ne, %convert_element_type3A, %cond3A : i32
    scf.if %cond3A_22 {
      %swap3A_49 = arith.constant 0 : index
      %swap3A_50 = arith.constant 0 : index
      %swap3A_51 = vector.load %arg7[%swap3A_49, %swap3A_50] : memref<512x16xf32, #tpu.memory_space<vmem>>, vector<512x16xf32>
      tpu.vector_store %arg7[%swap3A_49, %swap3A_50], %add3A_20 {strides = array<i32>} : memref<512x16xf32, #tpu.memory_space<vmem>>, vector<512x16xf32>,
    } else {
    }
    %broadcast_in_dim3A = arith.constant 1.000000e+00 : f32
    %broadcast_in_dim3A_23 = vector.broadcast %broadcast_in_dim3A : f32 to vector<512x16xf32>
    %concatenate3A = tpu.concatenate %add3A_20, %broadcast_in_dim3A_23 in 1 : vector<512x16xf32>, vector<512x16xf32> -> vector<512x32xf32>
    %swap3A = arith.constant 0 : index
    %swap3A_24 = arith.constant 0 : index
    %swap3A_25 = vector.load %arg8[%swap3A, %swap3A_24] : memref<512x32xf32, #tpu.memory_space<vmem>>, vector<512x32xf32>
    tpu.vector_store %arg8[%swap3A, %swap3A_24], %concatenate3A {strides = array<i32>} : memref<512x32xf32, #tpu.memory_space<vmem>>, vector<512x32xf32>,
    %get3A_26 = arith.constant 0 : index
    %get3A_27 = arith.constant 0 : index
    %get3A_28 = vector.load %arg4[%get3A_26, %get3A_27] : memref<128x16xf32, #tpu.memory_space<vmem>>, vector<128x16xf32>
    %get3A_29 = arith.constant 0 : index
    %get3A_30 = arith.constant 0 : index
    %get3A_31 = vector.load %arg5[%get3A_29, %get3A_30] : memref<16x128xf32, #tpu.memory_space<vmem>>, vector<16x128xf32>
    %dot_general3A_32 = arith.constant dense<0.000000e+00> : vector<128x128xf32>
    %dot_general3A_33 = tpu.matmul %get3A_28, %get3A_31, %dot_general3A_32 {dimension_numbers = #tpu.dot_dimension_numbers<[1], [0], [0], [1], [0, 0, 1, 1], [], []>, transpose_lhs_hint = false} : vector<128x16xf32>, vector<16x128xf32>, vector<128x128xf32> -> vector<128x128xf32>
    %get3A_34 = arith.constant 0 : index
    %get3A_35 = arith.constant 0 : index
    %get3A_36 = vector.load %arg6[%get3A_34, %get3A_35] : memref<1x16xf32, #tpu.memory_space<vmem>>, vector<1x16xf32>
    %get3A_37 = arith.constant 0 : index
    %get3A_38 = arith.constant 0 : index
    %get3A_39 = vector.load %arg5[%get3A_37, %get3A_38] : memref<16x128xf32, #tpu.memory_space<vmem>>, vector<16x128xf32>
    %dot_general3A_40 = arith.constant dense<0.000000e+00> : vector<1x128xf32>
    %dot_general3A_41 = tpu.matmul %get3A_36, %get3A_39, %dot_general3A_40 {dimension_numbers = #tpu.dot_dimension_numbers<[1], [0], [0], [1], [0, 0, 1, 1], [], []>, transpose_lhs_hint = false} : vector<1x16xf32>, vector<16x128xf32>, vector<1x128xf32> -> vector<1x128xf32>
    %dot_general3A_42 = arith.constant dense<0.000000e+00> : vector<512x128xf32>
    %dot_general3A_43 = tpu.matmul %max3A_10, %dot_general3A_33, %dot_general3A_42 {dimension_numbers = #tpu.dot_dimension_numbers<[1], [0], [0], [1], [0, 0, 1, 1], [], []>, transpose_lhs_hint = false} : vector<512x128xf32>, vector<128x128xf32>, vector<512x128xf32> -> vector<512x128xf32>
    %add3A_44 = vector.broadcast %dot_general3A_41 : vector<1x128xf32> to vector<512x128xf32>
    %add3A_45 = arith.addf %dot_general3A_43, %add3A_44 : vector<512x128xf32>
    %swap3A_46 = arith.constant 0 : index
    %swap3A_47 = arith.constant 0 : index
    %swap3A_48 = vector.load %arg9[%swap3A_46, %swap3A_47] : memref<512x128xf32, #tpu.memory_space<vmem>>, vector<512x128xf32>
    tpu.vector_store %arg9[%swap3A_46, %swap3A_47], %add3A_45 {strides = array<i32>} : memref<512x128xf32, #tpu.memory_space<vmem>>, vector<512x128xf32>,
    return
  }
  func.func @transform_0(%arg0: i32) -> (i32, i32) {
    %c0_i32 = arith.constant 0 : i32
    %c0_i32_0 = arith.constant 0 : i32
    return %arg0, %c0_i32 : i32, i32
  }
  func.func @transform_1(%arg0: i32) -> (i32, i32) {
    %min3A = arith.constant 624 : i32
    %min3A_0 = arith.minsi %arg0, %min3A : i32
    %c0_i32 = arith.constant 0 : i32
    %c0_i32_1 = arith.constant 0 : i32
    return %min3A_0, %c0_i32 : i32, i32
  }
  func.func @transform_2(%arg0: i32) -> (i32, i32) {
    %c0_i32 = arith.constant 0 : i32
    %c0_i32_0 = arith.constant 0 : i32
    %c0_i32_1 = arith.constant 0 : i32
    return %c0_i32, %c0_i32_0 : i32, i32
  }
  func.func @transform_3(%arg0: i32) -> (i32, i32) {
    %c0_i32 = arith.constant 0 : i32
    %c0_i32_0 = arith.constant 0 : i32
    %c0_i32_1 = arith.constant 0 : i32
    return %c0_i32, %c0_i32_0 : i32, i32
  }
  func.func @transform_4(%arg0: i32) -> (i32, i32) {
    %c0_i32 = arith.constant 0 : i32
    %c0_i32_0 = arith.constant 0 : i32
    %c0_i32_1 = arith.constant 0 : i32
    return %c0_i32, %c0_i32_0 : i32, i32
  }
  func.func @transform_5(%arg0: i32) -> (i32, i32) {
    %c0_i32 = arith.constant 0 : i32
    %c0_i32_0 = arith.constant 0 : i32
    %c0_i32_1 = arith.constant 0 : i32
    return %c0_i32, %c0_i32_0 : i32, i32
  }
  func.func @transform_6(%arg0: i32) -> (i32, i32) {
    %min3A = arith.constant 624 : i32
    %min3A_0 = arith.minsi %arg0, %min3A : i32
    %c0_i32 = arith.constant 0 : i32
    %c0_i32_1 = arith.constant 0 : i32
    return %min3A_0, %c0_i32 : i32, i32
  }
  func.func @transform_7(%arg0: i32) -> (i32, i32) {
    %c0_i32 = arith.constant 0 : i32
    %c0_i32_0 = arith.constant 0 : i32
    return %arg0, %c0_i32 : i32, i32
  }
  func.func @transform_8(%arg0: i32) -> (i32, i32) {
    %c0_i32 = arith.constant 0 : i32
    %c0_i32_0 = arith.constant 0 : i32
    return %arg0, %c0_i32 : i32, i32
  }
}

module attributes {stable_mosaic.version = 14 : i64} {
  func.func @_p4_body(%arg0: i32, %arg1: memref<2x200x128xf32, #tpu.memory_space<vmem>>, %arg2: memref<2x200x128xf32, #tpu.memory_space<vmem>>, %arg3: memref<200x128xf32, #tpu.memory_space<vmem>>, %arg4: memref<200x16xf32, #tpu.memory_space<vmem>>, %arg5: memref<16x32xf32, #tpu.memory_space<vmem>>, %arg6: memref<1x128xf32, #tpu.memory_space<vmem>>, %arg7: memref<128x128xf32, #tpu.memory_space<vmem>>, %arg8: memref<1x128xf32, #tpu.memory_space<vmem>>, %arg9: memref<128x128xf32, #tpu.memory_space<vmem>>, %arg10: memref<128x128xf32, #tpu.memory_space<vmem>>, %arg11: memref<32x128xf32, #tpu.memory_space<vmem>>, %arg12: memref<1x128xf32, #tpu.memory_space<vmem>>, %arg13: memref<128x128xf32, #tpu.memory_space<vmem>>, %arg14: memref<1x128xf32, #tpu.memory_space<vmem>>, %arg15: memref<176x128xf32, #tpu.memory_space<vmem>>, %arg16: memref<1x128xf32, #tpu.memory_space<vmem>>, %arg17: memref<128x32xf32, #tpu.memory_space<vmem>>, %arg18: memref<1x32xf32, #tpu.memory_space<vmem>>, %arg19: memref<200x128xf32, #tpu.memory_space<vmem>>, %arg20: memref<16x128xf32, #tpu.memory_space<vmem>>, %arg21: memref<16x128xf32, #tpu.memory_space<vmem>>, %arg22: memref<16x32xf32, #tpu.memory_space<vmem>>) attributes {dimension_semantics = [#tpu.dimension_semantics<arbitrary>], iteration_bounds = array<i64: 50>, scalar_prefetch = 0 : i64, scratch_operands = 0 : i64, tpu.core_type = #tpu.core_type<tc>, window_params = [{transform_indices = @transform_0, window_bounds = array<i64: 2, 200, 128>}, {transform_indices = @transform_1, window_bounds = array<i64: 2, 200, 128>}, {transform_indices = @transform_2, window_bounds = array<i64: 200, 128>}, {transform_indices = @transform_3, window_bounds = array<i64: 200, 16>}, {pipeline_mode = #tpu.pipeline_mode<synchronous>, transform_indices = @transform_4, window_bounds = array<i64: 16, 32>}, {pipeline_mode = #tpu.pipeline_mode<synchronous>, transform_indices = @transform_5, window_bounds = array<i64: 1, 128>}, {pipeline_mode = #tpu.pipeline_mode<synchronous>, transform_indices = @transform_6, window_bounds = array<i64: 128, 128>}, {pipeline_mode = #tpu.pipeline_mode<synchronous>, transform_indices = @transform_7, window_bounds = array<i64: 1, 128>}, {pipeline_mode = #tpu.pipeline_mode<synchronous>, transform_indices = @transform_8, window_bounds = array<i64: 128, 128>}, {pipeline_mode = #tpu.pipeline_mode<synchronous>, transform_indices = @transform_9, window_bounds = array<i64: 128, 128>}, {pipeline_mode = #tpu.pipeline_mode<synchronous>, transform_indices = @transform_10, window_bounds = array<i64: 32, 128>}, {pipeline_mode = #tpu.pipeline_mode<synchronous>, transform_indices = @transform_11, window_bounds = array<i64: 1, 128>}, {pipeline_mode = #tpu.pipeline_mode<synchronous>, transform_indices = @transform_12, window_bounds = array<i64: 128, 128>}, {pipeline_mode = #tpu.pipeline_mode<synchronous>, transform_indices = @transform_13, window_bounds = array<i64: 1, 128>}, {pipeline_mode = #tpu.pipeline_mode<synchronous>, transform_indices = @transform_14, window_bounds = array<i64: 176, 128>}, {pipeline_mode = #tpu.pipeline_mode<synchronous>, transform_indices = @transform_15, window_bounds = array<i64: 1, 128>}, {pipeline_mode = #tpu.pipeline_mode<synchronous>, transform_indices = @transform_16, window_bounds = array<i64: 128, 32>}, {pipeline_mode = #tpu.pipeline_mode<synchronous>, transform_indices = @transform_17, window_bounds = array<i64: 1, 32>}, {transform_indices = @transform_18, window_bounds = array<i64: 200, 128>}, {pipeline_mode = #tpu.pipeline_mode<synchronous>, transform_indices = @transform_19, window_bounds = array<i64: 16, 128>}, {pipeline_mode = #tpu.pipeline_mode<synchronous>, transform_indices = @transform_20, window_bounds = array<i64: 16, 128>}, {pipeline_mode = #tpu.pipeline_mode<synchronous>, transform_indices = @transform_21, window_bounds = array<i64: 16, 32>}]} {
    %get3A = arith.constant 0 : index
    %get3A_0 = arith.constant 0 : index
    %get3A_1 = arith.constant 0 : index
    %get3A_2 = vector.load %arg1[%get3A, %get3A_0, %get3A_1] : memref<2x200x128xf32, #tpu.memory_space<vmem>>, vector<1x200x128xf32>
    %get3A_3 = vector.shape_cast %get3A_2 : vector<1x200x128xf32> to vector<200x128xf32>
    %get3A_4 = arith.constant 1 : index
    %get3A_5 = arith.constant 0 : index
    %get3A_6 = arith.constant 0 : index
    %get3A_7 = vector.load %arg1[%get3A_4, %get3A_5, %get3A_6] : memref<2x200x128xf32, #tpu.memory_space<vmem>>, vector<1x200x128xf32>
    %get3A_8 = vector.shape_cast %get3A_7 : vector<1x200x128xf32> to vector<200x128xf32>
    %add3A = arith.addf %get3A_3, %get3A_8 : vector<200x128xf32>
    %get3A_9 = arith.constant 0 : index
    %get3A_10 = arith.constant 0 : index
    %get3A_11 = vector.load %arg6[%get3A_9, %get3A_10] : memref<1x128xf32, #tpu.memory_space<vmem>>, vector<1x128xf32>
    %add3A_12 = vector.broadcast %get3A_11 : vector<1x128xf32> to vector<200x128xf32>
    %add3A_13 = arith.addf %add3A, %add3A_12 : vector<200x128xf32>
    %max3A = arith.constant 0.000000e+00 : f32
    %max3A_14 = vector.broadcast %max3A : f32 to vector<200x128xf32>
    %max3A_15 = arith.maximumf %add3A_13, %max3A_14 : vector<200x128xf32>
    %get3A_16 = arith.constant 0 : index
    %get3A_17 = arith.constant 0 : index
    %get3A_18 = vector.load %arg7[%get3A_16, %get3A_17] : memref<128x128xf32, #tpu.memory_space<vmem>>, vector<128x128xf32>
    %dot_general3A = arith.constant dense<0.000000e+00> : vector<200x128xf32>
    %dot_general3A_19 = tpu.matmul %max3A_15, %get3A_18, %dot_general3A {dimension_numbers = #tpu.dot_dimension_numbers<[1], [0], [0], [1], [0, 0, 1, 1], [], []>, transpose_lhs_hint = false} : vector<200x128xf32>, vector<128x128xf32>, vector<200x128xf32> -> vector<200x128xf32>
    %get3A_20 = arith.constant 0 : index
    %get3A_21 = arith.constant 0 : index
    %get3A_22 = vector.load %arg8[%get3A_20, %get3A_21] : memref<1x128xf32, #tpu.memory_space<vmem>>, vector<1x128xf32>
    %add3A_23 = vector.broadcast %get3A_22 : vector<1x128xf32> to vector<200x128xf32>
    %add3A_24 = arith.addf %dot_general3A_19, %add3A_23 : vector<200x128xf32>
    %get3A_25 = arith.constant 0 : index
    %get3A_26 = arith.constant 0 : index
    %get3A_27 = vector.load %arg5[%get3A_25, %get3A_26] : memref<16x32xf32, #tpu.memory_space<vmem>>, vector<16x32xf32>
    %get3A_28 = arith.constant 0 : index
    %get3A_29 = arith.constant 0 : index
    %get3A_30 = vector.load %arg11[%get3A_28, %get3A_29] : memref<32x128xf32, #tpu.memory_space<vmem>>, vector<32x128xf32>
    %dot_general3A_31 = arith.constant dense<0.000000e+00> : vector<16x128xf32>
    %dot_general3A_32 = tpu.matmul %get3A_27, %get3A_30, %dot_general3A_31 {dimension_numbers = #tpu.dot_dimension_numbers<[1], [0], [0], [1], [0, 0, 1, 1], [], []>, transpose_lhs_hint = false} : vector<16x32xf32>, vector<32x128xf32>, vector<16x128xf32> -> vector<16x128xf32>
    %get3A_33 = arith.constant 0 : index
    %get3A_34 = arith.constant 0 : index
    %get3A_35 = vector.load %arg3[%get3A_33, %get3A_34] : memref<200x128xf32, #tpu.memory_space<vmem>>, vector<200x128xf32>
    %get3A_36 = arith.constant 0 : index
    %get3A_37 = arith.constant 0 : index
    %get3A_38 = vector.load %arg9[%get3A_36, %get3A_37] : memref<128x128xf32, #tpu.memory_space<vmem>>, vector<128x128xf32>
    %dot_general3A_39 = arith.constant dense<0.000000e+00> : vector<200x128xf32>
    %dot_general3A_40 = tpu.matmul %get3A_35, %get3A_38, %dot_general3A_39 {dimension_numbers = #tpu.dot_dimension_numbers<[1], [0], [0], [1], [0, 0, 1, 1], [], []>, transpose_lhs_hint = false} : vector<200x128xf32>, vector<128x128xf32>, vector<200x128xf32> -> vector<200x128xf32>
    %get3A_41 = arith.constant 0 : index
    %get3A_42 = arith.constant 0 : index
    %get3A_43 = vector.load %arg10[%get3A_41, %get3A_42] : memref<128x128xf32, #tpu.memory_space<vmem>>, vector<128x128xf32>
    %dot_general3A_44 = arith.constant dense<0.000000e+00> : vector<200x128xf32>
    %dot_general3A_45 = tpu.matmul %add3A_24, %get3A_43, %dot_general3A_44 {dimension_numbers = #tpu.dot_dimension_numbers<[1], [0], [0], [1], [0, 0, 1, 1], [], []>, transpose_lhs_hint = false} : vector<200x128xf32>, vector<128x128xf32>, vector<200x128xf32> -> vector<200x128xf32>
    %add3A_46 = arith.addf %dot_general3A_40, %dot_general3A_45 : vector<200x128xf32>
    %get3A_47 = arith.constant 0 : index
    %get3A_48 = arith.constant 0 : index
    %get3A_49 = vector.load %arg4[%get3A_47, %get3A_48] : memref<200x16xf32, #tpu.memory_space<vmem>>, vector<200x16xf32>
    %dot_general3A_50 = arith.constant dense<0.000000e+00> : vector<200x128xf32>
    %dot_general3A_51 = tpu.matmul %get3A_49, %dot_general3A_32, %dot_general3A_50 {dimension_numbers = #tpu.dot_dimension_numbers<[1], [0], [0], [1], [0, 0, 1, 1], [], []>, transpose_lhs_hint = false} : vector<200x16xf32>, vector<16x128xf32>, vector<200x128xf32> -> vector<200x128xf32>
    %add3A_52 = arith.addf %add3A_46, %dot_general3A_51 : vector<200x128xf32>
    %get3A_53 = arith.constant 0 : index
    %get3A_54 = arith.constant 0 : index
    %get3A_55 = vector.load %arg12[%get3A_53, %get3A_54] : memref<1x128xf32, #tpu.memory_space<vmem>>, vector<1x128xf32>
    %add3A_56 = vector.broadcast %get3A_55 : vector<1x128xf32> to vector<200x128xf32>
    %add3A_57 = arith.addf %add3A_52, %add3A_56 : vector<200x128xf32>
    %max3A_58 = arith.constant 0.000000e+00 : f32
    %max3A_59 = vector.broadcast %max3A_58 : f32 to vector<200x128xf32>
    %max3A_60 = arith.maximumf %add3A_57, %max3A_59 : vector<200x128xf32>
    %get3A_61 = arith.constant 0 : index
    %get3A_62 = arith.constant 0 : index
    %get3A_63 = vector.load %arg13[%get3A_61, %get3A_62] : memref<128x128xf32, #tpu.memory_space<vmem>>, vector<128x128xf32>
    %dot_general3A_64 = arith.constant dense<0.000000e+00> : vector<200x128xf32>
    %dot_general3A_65 = tpu.matmul %max3A_60, %get3A_63, %dot_general3A_64 {dimension_numbers = #tpu.dot_dimension_numbers<[1], [0], [0], [1], [0, 0, 1, 1], [], []>, transpose_lhs_hint = false} : vector<200x128xf32>, vector<128x128xf32>, vector<200x128xf32> -> vector<200x128xf32>
    %get3A_66 = arith.constant 0 : index
    %get3A_67 = arith.constant 0 : index
    %get3A_68 = vector.load %arg14[%get3A_66, %get3A_67] : memref<1x128xf32, #tpu.memory_space<vmem>>, vector<1x128xf32>
    %add3A_69 = vector.broadcast %get3A_68 : vector<1x128xf32> to vector<200x128xf32>
    %add3A_70 = arith.addf %dot_general3A_65, %add3A_69 : vector<200x128xf32>
    %swap3A = arith.constant 0 : index
    %swap3A_71 = arith.constant 0 : index
    %swap3A_72 = vector.load %arg19[%swap3A, %swap3A_71] : memref<200x128xf32, #tpu.memory_space<vmem>>, vector<200x128xf32>
    tpu.vector_store %arg19[%swap3A, %swap3A_71], %add3A_70 {strides = array<i32>} : memref<200x128xf32, #tpu.memory_space<vmem>>, vector<200x128xf32>,
    %get3A_73 = arith.constant 0 : index
    %get3A_74 = arith.constant 0 : index
    %get3A_75 = vector.load %arg4[%get3A_73, %get3A_74] : memref<200x16xf32, #tpu.memory_space<vmem>>, vector<200x16xf32>
    %dot_general3A_76 = arith.constant dense<0.000000e+00> : vector<16x128xf32>
    %dot_general3A_77 = tpu.matmul %get3A_75, %add3A_70, %dot_general3A_76 {dimension_numbers = #tpu.dot_dimension_numbers<[0], [0], [1], [1], [0, 1, 1, 1], [], []>, transpose_lhs_hint = false} : vector<200x16xf32>, vector<200x128xf32>, vector<16x128xf32> -> vector<16x128xf32>
    %get3A_78 = arith.constant 0 : index
    %get3A_79 = arith.constant 0 : index
    %get3A_80 = arith.constant 0 : index
    %get3A_81 = vector.load %arg2[%get3A_78, %get3A_79, %get3A_80] : memref<2x200x128xf32, #tpu.memory_space<vmem>>, vector<1x200x128xf32>
    %get3A_82 = vector.shape_cast %get3A_81 : vector<1x200x128xf32> to vector<200x128xf32>
    %get3A_83 = arith.constant 1 : index
    %get3A_84 = arith.constant 0 : index
    %get3A_85 = arith.constant 0 : index
    %get3A_86 = vector.load %arg2[%get3A_83, %get3A_84, %get3A_85] : memref<2x200x128xf32, #tpu.memory_space<vmem>>, vector<1x200x128xf32>
    %get3A_87 = vector.shape_cast %get3A_86 : vector<1x200x128xf32> to vector<200x128xf32>
    %add3A_88 = arith.addf %get3A_82, %get3A_87 : vector<200x128xf32>
    %slice3A = vector.extract_strided_slice %add3A_88 {offsets = [0, 0], sizes = [200, 32], strides = [1, 1]} : vector<200x128xf32> to vector<200x32xf32>
    %broadcast_in_dim3A = arith.constant 1.000000e+00 : f32
    %broadcast_in_dim3A_89 = vector.broadcast %broadcast_in_dim3A : f32 to vector<200x16xf32>
    %broadcast_in_dim3A_90 = arith.constant 0.000000e+00 : f32
    %broadcast_in_dim3A_91 = vector.broadcast %broadcast_in_dim3A_90 : f32 to vector<200x80xf32>
    %concatenate3A = tpu.concatenate %slice3A, %broadcast_in_dim3A_89, %broadcast_in_dim3A_91 in 1 : vector<200x32xf32>, vector<200x16xf32>, vector<200x80xf32> -> vector<200x128xf32>
    %dot_general3A_92 = arith.constant dense<0.000000e+00> : vector<16x128xf32>
    %dot_general3A_93 = tpu.matmul %get3A_75, %concatenate3A, %dot_general3A_92 {dimension_numbers = #tpu.dot_dimension_numbers<[0], [0], [1], [1], [0, 1, 1, 1], [], []>, transpose_lhs_hint = false} : vector<200x16xf32>, vector<200x128xf32>, vector<16x128xf32> -> vector<16x128xf32>
    %eq3A = arith.constant 0 : i32
    %eq3A_94 = arith.cmpi eq, %arg0, %eq3A : i32
    %convert_element_type3A = arith.extui %eq3A_94 : i1 to i32
    %cond3A = arith.constant 0 : i32
    %cond3A_95 = arith.cmpi ne, %convert_element_type3A, %cond3A : i32
    scf.if %cond3A_95 {
      %swap3A_105 = arith.constant 0 : index
      %swap3A_106 = arith.constant 0 : index
      %swap3A_107 = vector.load %arg20[%swap3A_105, %swap3A_106] : memref<16x128xf32, #tpu.memory_space<vmem>>, vector<16x128xf32>
      tpu.vector_store %arg20[%swap3A_105, %swap3A_106], %dot_general3A_77 {strides = array<i32>} : memref<16x128xf32, #tpu.memory_space<vmem>>, vector<16x128xf32>,
      %swap3A_108 = arith.constant 0 : index
      %swap3A_109 = arith.constant 0 : index
      %swap3A_110 = vector.load %arg21[%swap3A_108, %swap3A_109] : memref<16x128xf32, #tpu.memory_space<vmem>>, vector<16x128xf32>
      tpu.vector_store %arg21[%swap3A_108, %swap3A_109], %dot_general3A_93 {strides = array<i32>} : memref<16x128xf32, #tpu.memory_space<vmem>>, vector<16x128xf32>,
    } else {
    }
    %gt3A = arith.constant 0 : i32
    %gt3A_96 = arith.cmpi sgt, %arg0, %gt3A : i32
    %convert_element_type3A_97 = arith.extui %gt3A_96 : i1 to i32
    %cond3A_98 = arith.constant 0 : i32
    %cond3A_99 = arith.cmpi ne, %convert_element_type3A_97, %cond3A_98 : i32
    scf.if %cond3A_99 {
      %get3A_105 = arith.constant 0 : index
      %get3A_106 = arith.constant 0 : index
      %get3A_107 = vector.load %arg20[%get3A_105, %get3A_106] : memref<16x128xf32, #tpu.memory_space<vmem>>, vector<16x128xf32>
      %add3A_108 = arith.addf %get3A_107, %dot_general3A_77 : vector<16x128xf32>
      %swap3A_109 = arith.constant 0 : index
      %swap3A_110 = arith.constant 0 : index
      %swap3A_111 = vector.load %arg20[%swap3A_109, %swap3A_110] : memref<16x128xf32, #tpu.memory_space<vmem>>, vector<16x128xf32>
      tpu.vector_store %arg20[%swap3A_109, %swap3A_110], %add3A_108 {strides = array<i32>} : memref<16x128xf32, #tpu.memory_space<vmem>>, vector<16x128xf32>,
      %get3A_112 = arith.constant 0 : index
      %get3A_113 = arith.constant 0 : index
      %get3A_114 = vector.load %arg21[%get3A_112, %get3A_113] : memref<16x128xf32, #tpu.memory_space<vmem>>, vector<16x128xf32>
      %add3A_115 = arith.addf %get3A_114, %dot_general3A_93 : vector<16x128xf32>
      %swap3A_116 = arith.constant 0 : index
      %swap3A_117 = arith.constant 0 : index
      %swap3A_118 = vector.load %arg21[%swap3A_116, %swap3A_117] : memref<16x128xf32, #tpu.memory_space<vmem>>, vector<16x128xf32>
      tpu.vector_store %arg21[%swap3A_116, %swap3A_117], %add3A_115 {strides = array<i32>} : memref<16x128xf32, #tpu.memory_space<vmem>>, vector<16x128xf32>,
    } else {
    }
    %eq3A_100 = arith.constant 49 : i32
    %eq3A_101 = arith.cmpi eq, %arg0, %eq3A_100 : i32
    %convert_element_type3A_102 = arith.extui %eq3A_101 : i1 to i32
    %cond3A_103 = arith.constant 0 : i32
    %cond3A_104 = arith.cmpi ne, %convert_element_type3A_102, %cond3A_103 : i32
    scf.if %cond3A_104 {
      %get3A_105 = arith.constant 0 : index
      %get3A_106 = arith.constant 0 : index
      %get3A_107 = vector.load %arg20[%get3A_105, %get3A_106] : memref<16x128xf32, #tpu.memory_space<vmem>>, vector<16x128xf32>
      %get3A_108 = arith.constant 0 : index
      %get3A_109 = arith.constant 0 : index
      %get3A_110 = vector.load %arg21[%get3A_108, %get3A_109] : memref<16x128xf32, #tpu.memory_space<vmem>>, vector<16x128xf32>
      %slice3A_111 = vector.extract_strided_slice %get3A_110 {offsets = [0, 0], sizes = [16, 16], strides = [1, 1]} : vector<16x128xf32> to vector<16x16xf32>
      %slice3A_112 = vector.extract_strided_slice %get3A_110 {offsets = [0, 16], sizes = [16, 1], strides = [1, 1]} : vector<16x128xf32> to vector<16x1xf32>
      %slice3A_113 = vector.extract_strided_slice %get3A_110 {offsets = [0, 32], sizes = [16, 1], strides = [1, 1]} : vector<16x128xf32> to vector<16x1xf32>
      %max3A_114 = arith.constant 1.000000e+00 : f32
      %max3A_115 = vector.broadcast %max3A_114 : f32 to vector<16x1xf32>
      %max3A_116 = arith.maximumf %slice3A_113, %max3A_115 : vector<16x1xf32>
      %div3A = vector.broadcast %max3A_116 : vector<16x1xf32> to vector<16x128xf32>
      %div3A_117 = arith.divf %get3A_107, %div3A : vector<16x128xf32>
      %max3A_118 = arith.constant 1.000000e+00 : f32
      %max3A_119 = vector.broadcast %max3A_118 : f32 to vector<16x1xf32>
      %max3A_120 = arith.maximumf %slice3A_112, %max3A_119 : vector<16x1xf32>
      %div3A_121 = vector.broadcast %max3A_120 : vector<16x1xf32> to vector<16x16xf32>
      %div3A_122 = arith.divf %slice3A_111, %div3A_121 : vector<16x16xf32>
      %get3A_123 = arith.constant 0 : index
      %get3A_124 = arith.constant 0 : index
      %get3A_125 = vector.load %arg5[%get3A_123, %get3A_124] : memref<16x32xf32, #tpu.memory_space<vmem>>, vector<16x32xf32>
      %concatenate3A_126 = tpu.concatenate %get3A_125, %div3A_117, %div3A_122 in 1 : vector<16x32xf32>, vector<16x128xf32>, vector<16x16xf32> -> vector<16x176xf32>
      %get3A_127 = arith.constant 0 : index
      %get3A_128 = arith.constant 0 : index
      %get3A_129 = vector.load %arg15[%get3A_127, %get3A_128] : memref<176x128xf32, #tpu.memory_space<vmem>>, vector<176x128xf32>
      %dot_general3A_130 = arith.constant dense<0.000000e+00> : vector<16x128xf32>
      %dot_general3A_131 = tpu.matmul %concatenate3A_126, %get3A_129, %dot_general3A_130 {dimension_numbers = #tpu.dot_dimension_numbers<[1], [0], [0], [1], [0, 0, 1, 1], [], []>, transpose_lhs_hint = false} : vector<16x176xf32>, vector<176x128xf32>, vector<16x128xf32> -> vector<16x128xf32>
      %get3A_132 = arith.constant 0 : index
      %get3A_133 = arith.constant 0 : index
      %get3A_134 = vector.load %arg16[%get3A_132, %get3A_133] : memref<1x128xf32, #tpu.memory_space<vmem>>, vector<1x128xf32>
      %add3A_135 = vector.broadcast %get3A_134 : vector<1x128xf32> to vector<16x128xf32>
      %add3A_136 = arith.addf %dot_general3A_131, %add3A_135 : vector<16x128xf32>
      %max3A_137 = arith.constant 0.000000e+00 : f32
      %max3A_138 = vector.broadcast %max3A_137 : f32 to vector<16x128xf32>
      %max3A_139 = arith.maximumf %add3A_136, %max3A_138 : vector<16x128xf32>
      %get3A_140 = arith.constant 0 : index
      %get3A_141 = arith.constant 0 : index
      %get3A_142 = vector.load %arg17[%get3A_140, %get3A_141] : memref<128x32xf32, #tpu.memory_space<vmem>>, vector<128x32xf32>
      %dot_general3A_143 = arith.constant dense<0.000000e+00> : vector<16x32xf32>
      %dot_general3A_144 = tpu.matmul %max3A_139, %get3A_142, %dot_general3A_143 {dimension_numbers = #tpu.dot_dimension_numbers<[1], [0], [0], [1], [0, 0, 1, 1], [], []>, transpose_lhs_hint = false} : vector<16x128xf32>, vector<128x32xf32>, vector<16x32xf32> -> vector<16x32xf32>
      %get3A_145 = arith.constant 0 : index
      %get3A_146 = arith.constant 0 : index
      %get3A_147 = vector.load %arg18[%get3A_145, %get3A_146] : memref<1x32xf32, #tpu.memory_space<vmem>>, vector<1x32xf32>
      %add3A_148 = vector.broadcast %get3A_147 : vector<1x32xf32> to vector<16x32xf32>
      %add3A_149 = arith.addf %dot_general3A_144, %add3A_148 : vector<16x32xf32>
      %swap3A_150 = arith.constant 0 : index
      %swap3A_151 = arith.constant 0 : index
      %swap3A_152 = vector.load %arg22[%swap3A_150, %swap3A_151] : memref<16x32xf32, #tpu.memory_space<vmem>>, vector<16x32xf32>
      tpu.vector_store %arg22[%swap3A_150, %swap3A_151], %add3A_149 {strides = array<i32>} : memref<16x32xf32, #tpu.memory_space<vmem>>, vector<16x32xf32>,
    } else {
    }
    return
  }
  func.func @transform_0(%arg0: i32) -> (i32, i32, i32) {
    %c0_i32 = arith.constant 0 : i32
    %c0_i32_0 = arith.constant 0 : i32
    %c0_i32_1 = arith.constant 0 : i32
    return %c0_i32, %arg0, %c0_i32_0 : i32, i32, i32
  }
  func.func @transform_1(%arg0: i32) -> (i32, i32, i32) {
    %c0_i32 = arith.constant 0 : i32
    %c0_i32_0 = arith.constant 0 : i32
    %c0_i32_1 = arith.constant 0 : i32
    return %c0_i32, %arg0, %c0_i32_0 : i32, i32, i32
  }
  func.func @transform_2(%arg0: i32) -> (i32, i32) {
    %c0_i32 = arith.constant 0 : i32
    %c0_i32_0 = arith.constant 0 : i32
    return %arg0, %c0_i32 : i32, i32
  }
  func.func @transform_3(%arg0: i32) -> (i32, i32) {
    %c0_i32 = arith.constant 0 : i32
    %c0_i32_0 = arith.constant 0 : i32
    return %arg0, %c0_i32 : i32, i32
  }
  func.func @transform_4(%arg0: i32) -> (i32, i32) {
    %c0_i32 = arith.constant 0 : i32
    %c0_i32_0 = arith.constant 0 : i32
    %c0_i32_1 = arith.constant 0 : i32
    return %c0_i32, %c0_i32_0 : i32, i32
  }
  func.func @transform_5(%arg0: i32) -> (i32, i32) {
    %c0_i32 = arith.constant 0 : i32
    %c0_i32_0 = arith.constant 0 : i32
    %c0_i32_1 = arith.constant 0 : i32
    return %c0_i32, %c0_i32_0 : i32, i32
  }
  func.func @transform_6(%arg0: i32) -> (i32, i32) {
    %c0_i32 = arith.constant 0 : i32
    %c0_i32_0 = arith.constant 0 : i32
    %c0_i32_1 = arith.constant 0 : i32
    return %c0_i32, %c0_i32_0 : i32, i32
  }
  func.func @transform_7(%arg0: i32) -> (i32, i32) {
    %c0_i32 = arith.constant 0 : i32
    %c0_i32_0 = arith.constant 0 : i32
    %c0_i32_1 = arith.constant 0 : i32
    return %c0_i32, %c0_i32_0 : i32, i32
  }
  func.func @transform_8(%arg0: i32) -> (i32, i32) {
    %c0_i32 = arith.constant 0 : i32
    %c0_i32_0 = arith.constant 0 : i32
    %c0_i32_1 = arith.constant 0 : i32
    return %c0_i32, %c0_i32_0 : i32, i32
  }
  func.func @transform_9(%arg0: i32) -> (i32, i32) {
    %c0_i32 = arith.constant 0 : i32
    %c0_i32_0 = arith.constant 0 : i32
    %c0_i32_1 = arith.constant 0 : i32
    return %c0_i32, %c0_i32_0 : i32, i32
  }
  func.func @transform_10(%arg0: i32) -> (i32, i32) {
    %c0_i32 = arith.constant 0 : i32
    %c0_i32_0 = arith.constant 0 : i32
    %c0_i32_1 = arith.constant 0 : i32
    return %c0_i32, %c0_i32_0 : i32, i32
  }
  func.func @transform_11(%arg0: i32) -> (i32, i32) {
    %c0_i32 = arith.constant 0 : i32
    %c0_i32_0 = arith.constant 0 : i32
    %c0_i32_1 = arith.constant 0 : i32
    return %c0_i32, %c0_i32_0 : i32, i32
  }
  func.func @transform_12(%arg0: i32) -> (i32, i32) {
    %c0_i32 = arith.constant 0 : i32
    %c0_i32_0 = arith.constant 0 : i32
    %c0_i32_1 = arith.constant 0 : i32
    return %c0_i32, %c0_i32_0 : i32, i32
  }
  func.func @transform_13(%arg0: i32) -> (i32, i32) {
    %c0_i32 = arith.constant 0 : i32
    %c0_i32_0 = arith.constant 0 : i32
    %c0_i32_1 = arith.constant 0 : i32
    return %c0_i32, %c0_i32_0 : i32, i32
  }
  func.func @transform_14(%arg0: i32) -> (i32, i32) {
    %c0_i32 = arith.constant 0 : i32
    %c0_i32_0 = arith.constant 0 : i32
    %c0_i32_1 = arith.constant 0 : i32
    return %c0_i32, %c0_i32_0 : i32, i32
  }
  func.func @transform_15(%arg0: i32) -> (i32, i32) {
    %c0_i32 = arith.constant 0 : i32
    %c0_i32_0 = arith.constant 0 : i32
    %c0_i32_1 = arith.constant 0 : i32
    return %c0_i32, %c0_i32_0 : i32, i32
  }
  func.func @transform_16(%arg0: i32) -> (i32, i32) {
    %c0_i32 = arith.constant 0 : i32
    %c0_i32_0 = arith.constant 0 : i32
    %c0_i32_1 = arith.constant 0 : i32
    return %c0_i32, %c0_i32_0 : i32, i32
  }
  func.func @transform_17(%arg0: i32) -> (i32, i32) {
    %c0_i32 = arith.constant 0 : i32
    %c0_i32_0 = arith.constant 0 : i32
    %c0_i32_1 = arith.constant 0 : i32
    return %c0_i32, %c0_i32_0 : i32, i32
  }
  func.func @transform_18(%arg0: i32) -> (i32, i32) {
    %c0_i32 = arith.constant 0 : i32
    %c0_i32_0 = arith.constant 0 : i32
    return %arg0, %c0_i32 : i32, i32
  }
  func.func @transform_19(%arg0: i32) -> (i32, i32) {
    %c0_i32 = arith.constant 0 : i32
    %c0_i32_0 = arith.constant 0 : i32
    %c0_i32_1 = arith.constant 0 : i32
    return %c0_i32, %c0_i32_0 : i32, i32
  }
  func.func @transform_20(%arg0: i32) -> (i32, i32) {
    %c0_i32 = arith.constant 0 : i32
    %c0_i32_0 = arith.constant 0 : i32
    %c0_i32_1 = arith.constant 0 : i32
    return %c0_i32, %c0_i32_0 : i32, i32
  }
  func.func @transform_21(%arg0: i32) -> (i32, i32) {
    %c0_i32 = arith.constant 0 : i32
    %c0_i32_0 = arith.constant 0 : i32
    %c0_i32_1 = arith.constant 0 : i32
    return %c0_i32, %c0_i32_0 : i32, i32
  }
}

</mosaic_0001>

<sc_bundles>
// kernel: kernel.11.cloned.1.call-start
scs
__scs_entry_jumppad:
0x0: {  	(pc) =	sbr.rel $0x88, $3  }
0x1: {  	(tag) =	ssettag $0x0;
	lr =	simm.s32 $0x1  }
0x2: {  	[smem:$0x3F8C] =	sst lr;
	_ =	strace $0xD0000000  }
0x3: {  	_ = 	snop  }
0x4: {  	_ = 	snop  }
0x5: {  	_ = 	snop  }
0x6: {  	_ = 	snop  }
0x7: {  	_ = 	snop  }
__scs_overlays_trampoline_lowered:
0x8: {  	[smem:$0x3F9B] =	sst s0  }
0x9: {  	[smem:$0x3F9C] =	sst s1  }
0xa: {  	[smem:$0x3F9D] =	sst s2  }
0xb: {  	[smem:$0x3F9E] =	sst s3  }
0xc: {  	[smem:$0x3F9F] =	sst s4  }
0xd: {  	[smem:$0x3FA0] =	sst s5  }
0xe: {  	[smem:$0x3FA1] =	sst s6  }
0xf: {  	[smem:$0x3FA2] =	sst s7  }
0x10: {  	[smem:$0x3FA3] =	sst s8  }
0x11: {  	[smem:$0x3FA4] =	sst s9;
	s0 =	simm.s32 @!p0 $0x0  }
0x12: {  	s1 =	sld [smem:$0x3F8A];
	s0 =	simm.s32 @p0 $0x1  }
0x13: {  	[smem:$0x3FA5] =	sst s0;
	s0 =	simm.s32 @!p1 $0x0  }
0x14: {  	s2 =	sld [smem:$0x3F89];
	s0 =	simm.s32 @p1 $0x1  }
0x15: {  	[smem:$0x3FA6] =	sst s0;
	s0 =	simm.s32 @!p2 $0x0  }
0x16: {  	s3 =	sld [smem:$0x3FDB];
	s0 =	simm.s32 @p2 $0x1  }
0x17: {  	s4 =	simm.s32 $0x1BF5;
	[smem:$0x3FA8] =	sst s0  }
0x18: {  	s0 =	sld [smem:$0x3F8B];
	_ =	swait.ge [sflag:s4], $0x0  }
0x19: {  	s7 =	sld [smem:$0x3F8C]  }
0x1a: {  	s8 =	sadd.s32 $0xFFFFE003, lr  }
0x1b: {  	s9 =	sadd.s32 $0xFFFFFEF7, lr;
	s5 =	simm.s32 $0xFFFFFFFF;
	p2 =	slt.u32 s8, $0xFFFFF086  }
0x1c: {  	p1 =	slt.u32 s9, $0xF7A;
	s5 =	simm.s32 @!p2 $0x0  }
0x1d: {  	s5 =	simm.s32 @p1 $0x1;
	p0 =	seq.s32 s7, s2  }
0x1e: {  	s7 =	smul.u32 @!p0 $0xF7A, s2;
	p2 =	seq.s32 @!p0 s5, $0x0  }
0x1f: {  	s9 =	smul.u32 $0xF7A, s1;
	s8 =	simm.s32 @!p0 $0x1BF5;
	p2 =	por !p2, p0  }
0x20: {  	[sflag:s8] =	ssyncset.s32 @!p0 $0xFFFFF086;
	s6 =	sadd.s32 @!p0 s3, s7;
	s7 =	simm.s32 @!p0 $0x108  }
0x21: {  	s3 =	sadd.s32 s3, s9;
	s6 =	sadd.s32 @!p0 $0x88, s6;
	s7 =	simm.s32 @p2 $0x1082  }
0x22: {  	[simem:s7], [sflag:s8] =	dma.local @!p0 [hbm:s6], $0xF7A  }
0x23: {  	s9 =	sor.u32 $0xD0000000, s2;
	s6 =	simm.s32 $0x108;
	_ =	swait.ge @!p0 [sflag:s8], $0x0  }
0x24: {  	s3 =	sadd.s32 $0x88, s3;
	s6 =	simm.s32 @!p1 $0x1082;
	[sflag:s4] =	ssyncset.s32 $0xFFFFF086  }
0x25: {  	[simem:s6], [sflag:s4] =	dma.local [hbm:s3], $0xF7A  }
0x26: {  	[smem:$0x3F8C] =	sst s1;
	(tag) =	ssettag s2;
	_ =	strace s9  }
0x27: {  	s1 =	sld [smem:$0x3F9C]  }
0x28: {  	s2 =	sld [smem:$0x3F9D]  }
0x29: {  	s4 =	sld [smem:$0x3F9F]  }
0x2a: {  	p0 =	seq.s32 s5, $0x0;
	s5 =	sld [smem:$0x3FA0]  }
0x2b: {  	s6 =	sld [smem:$0x3FA1]  }
0x2c: {  	s7 =	sld [smem:$0x3FA2]  }
0x2d: {  	s3 =	simm.s32 $0x108;
	s8 =	sld [smem:$0x3FA3]  }
0x2e: {  	s3 =	simm.s32 @!p0 $0x1082;
	s9 =	sld [smem:$0x3FA4]  }
0x2f: {  	lr =	sadd.s32 s0, s3;
	s0 =	sld [smem:$0x3F9B]  }
0x30: {  	s3 =	sld [smem:$0x3F9E]  }
0x31: {  	[smem:$0x3FA7] =	sst s10  }
0x32: {  	s10 =	sld [smem:$0x3FA5];
	_ =	sdelay $0x3  }
0x33: {  	p0 =	seq.s32 s10, $0x1;
	s10 =	sld [smem:$0x3FA7];
	_ =	sdelay $0x3  }
0x34: {  	[smem:$0x3FA7] =	sst s10  }
0x35: {  	s10 =	sld [smem:$0x3FA6];
	_ =	sdelay $0x3  }
0x36: {  	p1 =	seq.s32 s10, $0x1;
	s10 =	sld [smem:$0x3FA7];
	_ =	sdelay $0x3  }
0x37: {  	[smem:$0x3FA7] =	sst s10  }
0x38: {  	s10 =	sld [smem:$0x3FA8]  }
0x39: {  	_ = 	snop;
	(pc) =	sbr.ind lr, $3  }
0x3a: {  	_ = 	snop  }
0x3b: {  	_ = 	snop  }
0x3c: {  	p2 =	seq.s32 s10, $0x1;
	s10 =	sld [smem:$0x3FA7]  }
0x3d: {  	_ =	shalt  }
0x3e: {  	_ =	shalt  }
0x3f: {  	_ =	shalt  }
0x40: {  	_ =	shalt  }
0x41: {  	_ =	shalt  }
0x42: {  	_ =	shalt  }
0x43: {  	_ =	shalt  }
0x44: {  	_ =	shalt  }
0x45: {  	_ =	shalt  }
0x46: {  	_ =	shalt  }
0x47: {  	_ =	shalt  }
0x48: {  	_ =	shalt  }
0x49: {  	_ =	shalt  }
0x4a: {  	_ =	shalt  }
0x4b: {  	_ =	shalt  }
0x4c: {  	_ =	shalt  }
0x4d: {  	_ =	shalt  }
0x4e: {  	_ =	shalt  }
0x4f: {  	_ =	shalt  }
0x50: {  	_ =	shalt  }
0x51: {  	_ =	shalt  }
0x52: {  	_ =	shalt  }
0x53: {  	_ =	shalt  }
0x54: {  	_ =	shalt  }
0x55: {  	_ =	shalt  }
0x56: {  	_ =	shalt  }
0x57: {  	_ =	shalt  }
0x58: {  	_ =	shalt  }
0x59: {  	_ =	shalt  }
0x5a: {  	_ =	shalt  }
0x5b: {  	_ =	shalt  }
0x5c: {  	_ =	shalt  }
0x5d: {  	_ =	shalt  }
0x5e: {  	_ =	shalt  }
0x5f: {  	_ =	shalt  }
0x60: {  	_ =	shalt  }
0x61: {  	_ =	shalt  }
0x62: {  	_ =	shalt  }
0x63: {  	_ =	shalt  }
0x64: {  	_ =	shalt  }
0x65: {  	_ =	shalt  }
0x66: {  	_ =	shalt  }
0x67: {  	_ =	shalt  }
0x68: {  	_ =	shalt  }
0x69: {  	_ =	shalt  }
0x6a: {  	_ =	shalt  }
0x6b: {  	_ =	shalt  }
0x6c: {  	_ =	shalt  }
0x6d: {  	_ =	shalt  }
0x6e: {  	_ =	shalt  }
0x6f: {  	_ =	shalt  }
0x70: {  	_ =	shalt  }
0x71: {  	_ =	shalt  }
0x72: {  	_ =	shalt  }
0x73: {  	_ =	shalt  }
0x74: {  	_ =	shalt  }
0x75: {  	_ =	shalt  }
0x76: {  	_ =	shalt  }
0x77: {  	_ =	shalt  }
0x78: {  	_ =	shalt  }
0x79: {  	_ =	shalt  }
0x7a: {  	_ =	shalt  }
0x7b: {  	_ =	shalt  }
0x7c: {  	_ =	shalt  }
0x7d: {  	_ =	shalt  }
0x7e: {  	_ =	shalt  }
0x7f: {  	_ =	shalt  }
0x80: {  	_ =	shalt  }
0x81: {  	_ =	shalt  }
0x82: {  	_ =	shalt  }
0x83: {  	_ =	shalt  }
0x84: {  	_ =	shalt  }
0x85: {  	_ =	shalt  }
0x86: {  	_ =	shalt  }
0x87: {  	_ =	shalt  }
.Lfunc_end0:
.L_simem_size_0:
called_computation.1_lowered:
.L_overlay_start_0:
0x88: {  	s2 =	sld [smem:$0x3FD9]  }
0x89: {  	s3 =	sld [smem:$0x3FFE];
	_ =	sdelay $0x1  }
0x8a: {  	s1 =	srdreg.scid  }
0x8b: {  	s0 =	sand.u32 $0x1, s1  }
0x8c: {  	s16 =	sshll.u32 s0, $0xA;
	s2 =	sadd.s32 s3, s2  }
0x8d: {  	s2 =	sadd.s32 s2, s16  }
0x8e: {  	[smem:$0x3FB3] =	sst s2  }
0x8f: {  	_ = 	snop  }
0x90: {  	(tm) =	ssettm $0x1  }
0x91: {  	s17 =	sld [smem:$0x3FFB];
	_ =	sdelay $0x3  }
0x92: {  	_ =	strace s17  }
0x93: {  	s2 =	sld [smem:$0x3FFC];
	_ =	sdelay $0x3  }
0x94: {  	_ =	strace s2  }
0x95: {  	s2 =	sld [smem:$0x3FFD];
	_ =	sdelay $0x3  }
0x96: {  	_ =	strace s2  }
0x97: {  	_ =	strace $0x8FFFFFFF  }
0x98: {  	s18 =	sld [smem:$0x3FDB];
	_ =	sdelay $0x1  }
0x99: {  	s19 =	simm.s32 $_scs_section_size  }
0x9a: {  	s4 =	simm.s32 $_size__tile_overlayer_lowered;
	s5 =	simm.s32 $_tile_overlayer_lowered  }
0x9b: {  	s22 =	simm.s32 $0x1BFF;
	s21 =	sshll.u32 s5, $0x1;
	s2 =	sadd.s32 s19, s18  }
0x9c: {  	s6 =	simm.s32 $0x0;
	s20 =	sshll.u32 s4, $0x1;
	s4 =	sadd.s32 s21, s2  }
0x9d: {  	[timem:s6], [sflag:s22] =	dma.local [hbm:s4], s20  }
0x9e: {  	_ =	swait.ge [sflag:s22], s20  }
0x9f: {  	s3 =	ssub.s32 $0x0, s20;
	[sflag:s22] =	ssyncset.done $0x0  }
0xa0: {  	[sflag:s22] =	ssyncadd.s32 s3;
	_ =	sdelay $0x1  }
0xa1: {  	s23 =	simm.s32 $0x1B8B  }
0xa2: {  	_ =	swait.ge [sflag:s23], $0x1  }
0xa3: {  	[sflag:s23] =	ssyncset.done $0x0  }
0xa4: {  	s25 =	simm.s32 $0x1B8E;
	s24 =	sld [smem:$0x3FFE];
	[sflag:s23] =	ssyncadd.s32 $0xFFFFFFFF  }
0xa5: {  	s26 =	simm.s32 $execute0_lowered;
	[smem:$0x3FD2] =	sst s25  }
0xa6: {  	s4 =	sshll.u32 s26, $0x1;
	_ =	strace $0x80000049;
	[dreg:$0x1] =	wrdreg $0xFFFFFFFF  }
0xa7: {  	s28 =	simm.s32 $_size_execute0_lowered;
	s2 =	sadd.s32 s2, s4;
	[dreg:$0x0] =	wrdreg $0x0  }
0xa8: {  	s4 =	sshll.u32 s28, $0x1;
	[dreg:$0x2] =	wrdreg s2  }
0xa9: {  	[dreg:$0x3] =	wrdreg s4  }
0xaa: {  	[dreg:$0x4] =	wrdreg $0xC0  }
0xab: {  	_ =	task [dreg:s6], $0x5FFFF  }
0xac: {  	[dreg:$0x1] =	wrdreg $0xFFFFFFFF  }
0xad: {  	[dreg:$0x0] =	wrdreg $0x60  }
0xae: {  	[dreg:$0x2] =	wrdreg s24  }
0xaf: {  	[dreg:$0x3] =	wrdreg $0x81000  }
0xb0: {  	[dreg:$0x4] =	wrdreg $0x9  }
0xb1: {  	_ =	task.clear_ibuf [dreg:s6], $0x5FFFF;
	_ =	strace $0x90000049  }
0xb2: {  	s29 =	simm.s32 $0x9;
	_ =	strace $0x8000004B  }
0xb3: {  	_ =	swait.ge [sflag:s29], $0x1  }
0xb4: {  	[sflag:s29] =	ssyncadd.s32 $0xFFFFFFFF  }
0xb5: {  	_ =	strace $0x9000004B  }
0xb6: {  	_ =	sfence  }
0xb7: {  	s30 =	sld [smem:$0x0];
	_ =	sdelay $0x2  }
0xb8: {  	s31 =	sshll.u32 s1, $0xD;
	s1 =	sshrl.u32 s1, $0x2  }
0xb9: {  	s3 =	sand.u32 $0x4000, s31;
	s1 =	sadd.s32 s1, s30  }
0xba: {  	s0 =	sor.u32 s3, s0;
	s1 =	sshll.u32 s1, $0x11  }
0xbb: {  	s0 =	sor.u32 s1, s0  }
0xbc: {  	s0 =	sadd.s32 $0x8F2B, s0  }
0xbd: {  	[sflag:s0] =	ssyncadd.remote.s32 $0x1  }
0xbe: {  	_ =	sfence.sel $0xFFFF  }
0xbf: {  	[dreg:$0x0] =	wrdreg $0xFFFFFFFF;
	(pc) =	sbr.abs _section_cstart, $3  }
0xc0: {  	[dreg:$0x1] =	wrdreg $0xFFFFFFFF  }
0xc1: {  	_ =	task.clear_ibuf [dreg:s6], $0x2FFFF;
	_ =	strace $0x9FFFFFFF  }
0xc2: {  	(tm) =	ssettm $0x7FFFFFFF  }
0xc3: {  	_ =	shalt  }
tec
execute0_lowered:
.L_overlay_start_1:
0x0: {  	(tag) =	ssettag $0x1  }
0x1: {  	s7 =	rddreg [dreg:$0x0]  }
0x2: {  	s1 =	rddreg [dreg:$0x1]  }
0x3: {  	s0 =	rddreg [dreg:$0x2];
	s2 =	simm.s32 $0x0  }
0x4: {  	s3 =	srdreg.scid;
	s18 =	stileid.u32;
	s15 =	simm.s32 $0x100  }
0x5: {  	s16 =	simm.s32 $0x2;
	s17 =	simm.s32 $0x80;
	s19 =	simm.s32 $0x1  }
0x6: {  	[smem:$0x7FF] =	sst s2;
	s8 =	sand.u32 $0x1, s3;
	s3 =	sadd.s32 $0x53800, s7  }
0x7: {  	s4 =	sadd.s32 $0xF43000, s7;
	s10 =	smul.u32 $0x4F800, s18;
	s5 =	sadd.s32 $0x7B400, s7  }
0x8: {  	s6 =	sadd.s32 $0x85200, s7;
	s31 =	sshll.u32 s18, $0x1;
	p0 =	sne.s32 s18, $0x0  }
0x9: {  	s18 =	simm.s32 $0x4100;
	_ =	strace $0x8000004A;
	s9 =	smul.u32 $0x27C00, s8  }
0xa: {  	s30 =	ssub.s32 $0x2, s8;
	s8 =	sor.u32 s8, s31;
	s20 =	sshrl.u32 @!p0 s1, $0x3  }
0xb: {  	s10 =	sshrl.u32 s10, $0x2;
	s12 =	sshrl.u32 s30, $0x1;
	s8 =	smul.u32 $0x2780, s8  }
0xc: {  	s11 =	sadd.s32 s9, s7;
	s7 =	sadd.s32 s10, s1;
	s12 =	ssub.s32 s30, s12  }
0xd: {  	s9 =	sadd.s32 $0x10000, s7;
	s10 =	sadd.s32 $0x4000, s11;
	s11 =	smax.u32 s12, $0x1  }
0xe: {  	v0 =	vimm.f32 $0.0e+00;
	s12 =	sadd.s32 $0x4000, s7;
	s13 =	sadd.s32 $0x8000, s7;
	s14 =	sadd.s32 $0xC000, s7  }
.LBB2_1:
0xf: {  	s21 =	simm.s32 $0x0;
	s22 =	simm.s32 $0x200  }
.LBB2_2:
0x10: {  	p1 =	sne.s32 s22, $0xFE00;
	[tilespmem:s21+$0x170] =	vst v0  }
0x11: {  	[tilespmem:s21+$0x100] =	vst v0  }
0x12: {  	[tilespmem:s21+$0x110] =	vst v0  }
.Ltmp0:
0x13: {  	[tilespmem:s21+$0x120] =	vst v0;
	(pc) =	sbr.rel @p1 .LBB2_2-.Ltmp0, $4  }
0x14: {  	[tilespmem:s21+$0x130] =	vst v0  }
0x15: {  	[tilespmem:s21+$0x140] =	vst v0  }
0x16: {  	[tilespmem:s21+$0x150] =	vst v0  }
0x17: {  	[tilespmem:s21+$0x160] =	vst v0;
	s21 =	sshra.s32 s22, $0x2;
	s22 =	sadd.s32 $0x200, s22  }
0x18: {  	[tilespmem:s21+$0x170] =	vst v0  }
0x19: {  	[tilespmem:s21+$0x100] =	vst v0  }
0x1a: {  	[tilespmem:s21+$0x110] =	vst v0  }
0x1b: {  	[tilespmem:s21+$0x120] =	vst v0  }
0x1c: {  	[tilespmem:s21+$0x130] =	vst v0  }
0x1d: {  	[tilespmem:s21+$0x140] =	vst v0  }
0x1e: {  	[tilespmem:s21+$0x150] =	vst v0  }
0x1f: {  	[tilespmem:s21+$0x160] =	vst v0  }
0x20: {  	[spmem:s7] =	stream.linear.scatter [tilespmem:s15], [sflag:$0x2], $0x4000, $0x38;
	[tilespmem:$0x1BF00] =	vst v63  }
0x21: {  	_ =	swait.ge [sflag:s16], $0x4000  }
0x22: {  	[sflag:s16] =	ssyncset.done $0x0  }
0x23: {  	[sflag:s16] =	ssyncadd.s32 $0xFFFFC000  }
0x24: {  	[spmem:s12] =	stream.linear.scatter [tilespmem:s15], [sflag:$0x2], $0x4000, $0x38;
	[tilespmem:$0x1BF00] =	vst v63  }
0x25: {  	_ =	swait.ge [sflag:s16], $0x4000  }
0x26: {  	[sflag:s16] =	ssyncset.done $0x0  }
0x27: {  	[sflag:s16] =	ssyncadd.s32 $0xFFFFC000  }
0x28: {  	[spmem:s13] =	stream.linear.scatter [tilespmem:s15], [sflag:$0x2], $0x4000, $0x38;
	[tilespmem:$0x1BF00] =	vst v63  }
0x29: {  	_ =	swait.ge [sflag:s16], $0x4000  }
0x2a: {  	[sflag:s16] =	ssyncset.done $0x0  }
0x2b: {  	[sflag:s16] =	ssyncadd.s32 $0xFFFFC000  }
0x2c: {  	[spmem:s14] =	stream.linear.scatter [tilespmem:s15], [sflag:$0x2], $0x4000, $0x38;
	[tilespmem:$0x1BF00] =	vst v63  }
0x2d: {  	_ =	swait.ge [sflag:s16], $0x4000  }
0x2e: {  	[sflag:s16] =	ssyncset.done $0x0  }
0x2f: {  	[sflag:s16] =	ssyncadd.s32 $0xFFFFC000  }
0x30: {  	[spmem:s9] =	stream.linear.scatter [tilespmem:s15], [sflag:$0x2], $0x3E00, $0x38;
	[tilespmem:$0x1BF00] =	vst v63  }
0x31: {  	_ =	swait.ge [sflag:s16], $0x3E00  }
0x32: {  	[sflag:s16] =	ssyncset.done $0x0  }
0x33: {  	[sflag:s16] =	ssyncadd.s32 $0xFFFFC200  }
0x34: {  	s21 =	simm.s32 $0x0;
	s22 =	simm.s32 $0x0;
	[bflag:$0x0] =	sbarrier.arrive $0xFFFF  }
.LBB2_4:
0x35: {  	s23 =	sshll.u32 s22, $0x7  }
0x36: {  	s23 =	sadd.s32 s8, s23  }
0x37: {  	s24 =	sshrl.u32 s23, $0x3  }
0x38: {  	s25 =	sadd.s32 s5, s24  }
0x39: {  	[tilespmem:s21], [sflag:$0x2] =	stream.linear.gather [hbm4b:s25+s21], $0x80, $0x38;
	[tilespmem:$0x1BF00] =	vst v63  }
0x3a: {  	_ =	swait.ge [sflag:s16], $0x80  }
0x3b: {  	[sflag:s16] =	ssyncset.done $0x0  }
0x3c: {  	s24 =	sadd.s32 s6, s24;
	[sflag:s16] =	ssyncadd.s32 $0xFFFFFF80  }
0x3d: {  	[tilespmem:s17], [sflag:$0x2] =	stream.linear.gather [hbm4b:s24+s21], $0x80, $0x38;
	[tilespmem:$0x1BF00] =	vst v63  }
0x3e: {  	_ =	swait.ge [sflag:s16], $0x80  }
0x3f: {  	[sflag:s16] =	ssyncset.done $0x0  }
0x40: {  	s23 =	sshll.u32 s23, $0x4;
	[sflag:s16] =	ssyncadd.s32 $0xFFFFFF80  }
0x41: {  	[tilespmem:s15], [sflag:$0x1] =	stream.indirect.gather [hbm4b:s3+s17], $0x80, s21, s17, $0xb8;
	[tilespmem:$0x1BF00] =	vst v63  }
0x42: {  	s23 =	sadd.s32 s4, s23  }
0x43: {  	[tilespmem:s18], [sflag:$0x2] =	stream.linear.gather [hbm4b:s23+s21], $0x4000, $0x38;
	[tilespmem:$0x1BF00] =	vst v63  }
0x44: {  	_ =	swait.ge [sflag:s16], $0x4000  }
0x45: {  	[sflag:s16] =	ssyncset.done $0x0  }
0x46: {  	[sflag:s16] =	ssyncadd.s32 $0xFFFFC000  }
0x47: {  	_ =	swait.ge [sflag:s19], $0x4000  }
0x48: {  	[sflag:s19] =	ssyncset.done $0x0  }
0x49: {  	s23 =	simm.s32 $0x0;
	[sflag:s19] =	ssyncadd.s32 $0xFFFFC000  }
0x4a: {  	v8 =	vld [tilespmem:s23+$0x4100]  }
0x4b: {  	v12 =	vld [tilespmem:s23+$0x4110]  }
0x4c: {  	v6 =	vld [tilespmem:s23+$0x4120]  }
0x4d: {  	v5 =	vld [tilespmem:s23+$0x4130]  }
0x4e: {  	v4 =	vld [tilespmem:s23+$0x4140]  }
0x4f: {  	v3 =	vld [tilespmem:s23+$0x4150]  }
0x50: {  	v2 =	vld [tilespmem:s23+$0x4160]  }
0x51: {  	v1 =	vld [tilespmem:s23+$0x4170]  }
0x52: {  	v13 =	vld [tilespmem:s23+$0x100]  }
0x53: {  	v14 =	vld [tilespmem:s23+$0x110]  }
0x54: {  	v11 =	vld [tilespmem:s23+$0x120]  }
0x55: {  	v10 =	vld [tilespmem:s23+$0x130]  }
0x56: {  	v9 =	vld [tilespmem:s23+$0x140]  }
0x57: {  	v7 =	vld [tilespmem:s23+$0x150];
	v13 =	vadd.f32 v8, v13  }
0x58: {  	s24 =	simm.s32 $0x200;
	v12 =	vadd.f32 v12, v14;
	v8 =	vld [tilespmem:s23+$0x160]  }
.LBB2_5:
0x59: {  	s25 =	sshra.s32 s24, $0x2;
	p1 =	sne.s32 s24, $0xFE00;
	[tilespmem:s23+$0x100] =	vst v13;
	v6 =	vadd.f32 v6, v11;
	v11 =	vld [tilespmem:s23+$0x170]  }
0x5a: {  	v13 =	vld [tilespmem:s25+$0x4100];
	[tilespmem:s23+$0x110] =	vst v12;
	v5 =	vadd.f32 v5, v10  }
0x5b: {  	v12 =	vld [tilespmem:s25+$0x4110];
	[tilespmem:s23+$0x120] =	vst v6;
	v4 =	vadd.f32 v4, v9  }
0x5c: {  	v6 =	vld [tilespmem:s25+$0x4120];
	[tilespmem:s23+$0x130] =	vst v5;
	v3 =	vadd.f32 v3, v7  }
0x5d: {  	v5 =	vld [tilespmem:s25+$0x4130];
	[tilespmem:s23+$0x140] =	vst v4;
	v2 =	vadd.f32 v2, v8  }
0x5e: {  	v4 =	vld [tilespmem:s25+$0x4140];
	[tilespmem:s23+$0x150] =	vst v3;
	v1 =	vadd.f32 v1, v11  }
0x5f: {  	v3 =	vld [tilespmem:s25+$0x4150];
	[tilespmem:s23+$0x160] =	vst v2  }
0x60: {  	v2 =	vld [tilespmem:s25+$0x4160];
	[tilespmem:s23+$0x170] =	vst v1;
	s23 =	smov.u32 s25  }
0x61: {  	v1 =	vld [tilespmem:s23+$0x4170]  }
0x62: {  	v7 =	vld [tilespmem:s23+$0x100]  }
0x63: {  	v8 =	vld [tilespmem:s23+$0x110]  }
.Ltmp1:
0x64: {  	v11 =	vld [tilespmem:s23+$0x120];
	(pc) =	sbr.rel @p1 .LBB2_5-.Ltmp1, $4  }
0x65: {  	v10 =	vld [tilespmem:s23+$0x130]  }
0x66: {  	v9 =	vld [tilespmem:s23+$0x140]  }
0x67: {  	v13 =	vadd.f32 v13, v7;
	v7 =	vld [tilespmem:s23+$0x150]  }
0x68: {  	s24 =	sadd.s32 $0x200, s24;
	v12 =	vadd.f32 v12, v8;
	v8 =	vld [tilespmem:s23+$0x160]  }
0x69: {  	[tilespmem:s23+$0x100] =	vst v13;
	v6 =	vadd.f32 v6, v11;
	v63 =	vld [tilespmem:s23+$0x170]  }
0x6a: {  	[tilespmem:s23+$0x110] =	vst v12;
	v5 =	vadd.f32 v5, v10  }
0x6b: {  	[tilespmem:s23+$0x120] =	vst v6;
	v4 =	vadd.f32 v4, v9  }
0x6c: {  	[tilespmem:s23+$0x130] =	vst v5;
	v3 =	vadd.f32 v3, v7  }
0x6d: {  	[tilespmem:s23+$0x140] =	vst v4;
	v2 =	vadd.f32 v2, v8  }
0x6e: {  	s22 =	sadd.s32 $0x1, s22;
	[tilespmem:s23+$0x150] =	vst v3;
	v1 =	vadd.f32 v1, v63  }
0x6f: {  	p1 =	sne.s32 s22, $0x4F;
	[tilespmem:s23+$0x160] =	vst v2  }
.Ltmp2:
0x70: {  	[tilespmem:s23+$0x170] =	vst v1;
	(pc) =	sbr.rel @p1 .LBB2_4-.Ltmp2, $4  }
0x71: {  	[spmem:s1] =	stream.indirect.scatter.add.f32 [tilespmem:s15], [sflag:$0x2], $0x80, s17, s17, $0xb8;
	[tilespmem:$0x1BF00] =	vst v63  }
0x72: {  	_ =	swait.ge [sflag:s16], $0x4000  }
0x73: {  	[sflag:s16] =	ssyncset.done $0x0  }
0x74: {  	[sflag:s16] =	ssyncadd.s32 $0xFFFFC000  }
0x75: {  	[bflag:$0x0] =	sbarrier.arrive $0xFFFF;
	s21 =	simm.s32 @!p0 $0x1C02;
	s2 =	sadd.s32 $0x1, s2  }
0x76: {  	[hbm:s10], [sflag:s21] =	dma.local @!p0 [spmem:s20], $0x27C00  }
0x77: {  	p1 =	sne.s32 s2, s11  }
.Ltmp3:
0x78: {  	_ = 	snop;
	(pc) =	sbr.rel @p1 .LBB2_1-.Ltmp3, $4  }
0x79: {  	s21 =	simm.s32 @!p0 $0x2  }
0x7a: {  	_ =	swait.ge @!p0 [sflag:s21], $0x27C00  }
0x7b: {  	[sflag:s21] =	ssyncset.done @!p0 $0x0  }
0x7c: {  	[sflag:s21] =	ssyncadd.s32 @!p0 $0xFFFD8400  }
0x7d: {  	_ =	sfence.sel $0x180000  }
0x7e: {  	[bflag:$0x0] =	sbarrier.arrive $0xFFFF  }
0x7f: {  	_ =	strace $0x9000004A  }
0x80: {  	s0 =	sadd.s32 @!p0 $0x100000, s0;
	[bflag:$0x2] =	sbarrier.arrive $0xFFFF  }
0x81: {  	[sflag:s0] =	ssyncadd.tile.s32 @!p0 $0x1;
	_ =	shalt  }
.Lfunc_end2:
_tile_overlayer_lowered:
.L_overlay_start_2:
0x82: {  	(tag) =	ssettag $0x2  }
0x83: {  	s0 =	rddreg [dreg:$0x0];
	s2 =	stileid.u32  }
0x84: {  	s1 =	rddreg [dreg:$0x1];
	p0 =	sne.s32 s2, $0x0  }
0x85: {  	s3 =	rddreg [dreg:$0x2];
	[bflag:$0x3] =	sbarrier.arrive $0xFFFF;
	s2 =	simm.s32 @!p0 $0x1C02  }
0x86: {  	[timem:s3], [sflag:s2] =	dma.local @!p0 [hbm:s0], s1  }
0x87: {  	s0 =	simm.s32 @!p0 $0x2  }
0x88: {  	_ =	swait.ge @!p0 [sflag:s0], s1  }
0x89: {  	s1 =	ssub.s32 @!p0 $0x0, s1;
	[sflag:s0] =	ssyncset.done @!p0 $0x0  }
0x8a: {  	[sflag:s0] =	ssyncadd.s32 @!p0 s1  }
0x8b: {  	[bflag:$0x3] =	sbarrier.arrive $0xFFFF  }
0x8c: {  	_ =	shalt  }

// kernel: kernel.14.cloned.1.call-start
scs
__scs_entry_jumppad:
0x0: {  	(pc) =	sbr.rel $0x88, $3  }
0x1: {  	(tag) =	ssettag $0x0;
	lr =	simm.s32 $0x1  }
0x2: {  	[smem:$0x3F8C] =	sst lr;
	_ =	strace $0xD0000000  }
0x3: {  	_ = 	snop  }
0x4: {  	_ = 	snop  }
0x5: {  	_ = 	snop  }
0x6: {  	_ = 	snop  }
0x7: {  	_ = 	snop  }
__scs_overlays_trampoline_lowered:
0x8: {  	[smem:$0x3F9B] =	sst s0  }
0x9: {  	[smem:$0x3F9C] =	sst s1  }
0xa: {  	[smem:$0x3F9D] =	sst s2  }
0xb: {  	[smem:$0x3F9E] =	sst s3  }
0xc: {  	[smem:$0x3F9F] =	sst s4  }
0xd: {  	[smem:$0x3FA0] =	sst s5  }
0xe: {  	[smem:$0x3FA1] =	sst s6  }
0xf: {  	[smem:$0x3FA2] =	sst s7  }
0x10: {  	[smem:$0x3FA3] =	sst s8  }
0x11: {  	[smem:$0x3FA4] =	sst s9;
	s0 =	simm.s32 @!p0 $0x0  }
0x12: {  	s1 =	sld [smem:$0x3F8A];
	s0 =	simm.s32 @p0 $0x1  }
0x13: {  	[smem:$0x3FA5] =	sst s0;
	s0 =	simm.s32 @!p1 $0x0  }
0x14: {  	s2 =	sld [smem:$0x3F89];
	s0 =	simm.s32 @p1 $0x1  }
0x15: {  	[smem:$0x3FA6] =	sst s0;
	s0 =	simm.s32 @!p2 $0x0  }
0x16: {  	s3 =	sld [smem:$0x3FDB];
	s0 =	simm.s32 @p2 $0x1  }
0x17: {  	s4 =	simm.s32 $0x1BF5;
	[smem:$0x3FA8] =	sst s0  }
0x18: {  	s0 =	sld [smem:$0x3F8B];
	_ =	swait.ge [sflag:s4], $0x0  }
0x19: {  	s7 =	sld [smem:$0x3F8C]  }
0x1a: {  	s8 =	sadd.s32 $0xFFFFE003, lr  }
0x1b: {  	s9 =	sadd.s32 $0xFFFFFEF7, lr;
	s5 =	simm.s32 $0xFFFFFFFF;
	p2 =	slt.u32 s8, $0xFFFFF086  }
0x1c: {  	p1 =	slt.u32 s9, $0xF7A;
	s5 =	simm.s32 @!p2 $0x0  }
0x1d: {  	s5 =	simm.s32 @p1 $0x1;
	p0 =	seq.s32 s7, s2  }
0x1e: {  	s7 =	smul.u32 @!p0 $0xF7A, s2;
	p2 =	seq.s32 @!p0 s5, $0x0  }
0x1f: {  	s9 =	smul.u32 $0xF7A, s1;
	s8 =	simm.s32 @!p0 $0x1BF5;
	p2 =	por !p2, p0  }
0x20: {  	[sflag:s8] =	ssyncset.s32 @!p0 $0xFFFFF086;
	s6 =	sadd.s32 @!p0 s3, s7;
	s7 =	simm.s32 @!p0 $0x108  }
0x21: {  	s3 =	sadd.s32 s3, s9;
	s6 =	sadd.s32 @!p0 $0x88, s6;
	s7 =	simm.s32 @p2 $0x1082  }
0x22: {  	[simem:s7], [sflag:s8] =	dma.local @!p0 [hbm:s6], $0xF7A  }
0x23: {  	s9 =	sor.u32 $0xD0000000, s2;
	s6 =	simm.s32 $0x108;
	_ =	swait.ge @!p0 [sflag:s8], $0x0  }
0x24: {  	s3 =	sadd.s32 $0x88, s3;
	s6 =	simm.s32 @!p1 $0x1082;
	[sflag:s4] =	ssyncset.s32 $0xFFFFF086  }
0x25: {  	[simem:s6], [sflag:s4] =	dma.local [hbm:s3], $0xF7A  }
0x26: {  	[smem:$0x3F8C] =	sst s1;
	(tag) =	ssettag s2;
	_ =	strace s9  }
0x27: {  	s1 =	sld [smem:$0x3F9C]  }
0x28: {  	s2 =	sld [smem:$0x3F9D]  }
0x29: {  	s4 =	sld [smem:$0x3F9F]  }
0x2a: {  	p0 =	seq.s32 s5, $0x0;
	s5 =	sld [smem:$0x3FA0]  }
0x2b: {  	s6 =	sld [smem:$0x3FA1]  }
0x2c: {  	s7 =	sld [smem:$0x3FA2]  }
0x2d: {  	s3 =	simm.s32 $0x108;
	s8 =	sld [smem:$0x3FA3]  }
0x2e: {  	s3 =	simm.s32 @!p0 $0x1082;
	s9 =	sld [smem:$0x3FA4]  }
0x2f: {  	lr =	sadd.s32 s0, s3;
	s0 =	sld [smem:$0x3F9B]  }
0x30: {  	s3 =	sld [smem:$0x3F9E]  }
0x31: {  	[smem:$0x3FA7] =	sst s10  }
0x32: {  	s10 =	sld [smem:$0x3FA5];
	_ =	sdelay $0x3  }
0x33: {  	p0 =	seq.s32 s10, $0x1;
	s10 =	sld [smem:$0x3FA7];
	_ =	sdelay $0x3  }
0x34: {  	[smem:$0x3FA7] =	sst s10  }
0x35: {  	s10 =	sld [smem:$0x3FA6];
	_ =	sdelay $0x3  }
0x36: {  	p1 =	seq.s32 s10, $0x1;
	s10 =	sld [smem:$0x3FA7];
	_ =	sdelay $0x3  }
0x37: {  	[smem:$0x3FA7] =	sst s10  }
0x38: {  	s10 =	sld [smem:$0x3FA8]  }
0x39: {  	_ = 	snop;
	(pc) =	sbr.ind lr, $3  }
0x3a: {  	_ = 	snop  }
0x3b: {  	_ = 	snop  }
0x3c: {  	p2 =	seq.s32 s10, $0x1;
	s10 =	sld [smem:$0x3FA7]  }
0x3d: {  	_ =	shalt  }
0x3e: {  	_ =	shalt  }
0x3f: {  	_ =	shalt  }
0x40: {  	_ =	shalt  }
0x41: {  	_ =	shalt  }
0x42: {  	_ =	shalt  }
0x43: {  	_ =	shalt  }
0x44: {  	_ =	shalt  }
0x45: {  	_ =	shalt  }
0x46: {  	_ =	shalt  }
0x47: {  	_ =	shalt  }
0x48: {  	_ =	shalt  }
0x49: {  	_ =	shalt  }
0x4a: {  	_ =	shalt  }
0x4b: {  	_ =	shalt  }
0x4c: {  	_ =	shalt  }
0x4d: {  	_ =	shalt  }
0x4e: {  	_ =	shalt  }
0x4f: {  	_ =	shalt  }
0x50: {  	_ =	shalt  }
0x51: {  	_ =	shalt  }
0x52: {  	_ =	shalt  }
0x53: {  	_ =	shalt  }
0x54: {  	_ =	shalt  }
0x55: {  	_ =	shalt  }
0x56: {  	_ =	shalt  }
0x57: {  	_ =	shalt  }
0x58: {  	_ =	shalt  }
0x59: {  	_ =	shalt  }
0x5a: {  	_ =	shalt  }
0x5b: {  	_ =	shalt  }
0x5c: {  	_ =	shalt  }
0x5d: {  	_ =	shalt  }
0x5e: {  	_ =	shalt  }
0x5f: {  	_ =	shalt  }
0x60: {  	_ =	shalt  }
0x61: {  	_ =	shalt  }
0x62: {  	_ =	shalt  }
0x63: {  	_ =	shalt  }
0x64: {  	_ =	shalt  }
0x65: {  	_ =	shalt  }
0x66: {  	_ =	shalt  }
0x67: {  	_ =	shalt  }
0x68: {  	_ =	shalt  }
0x69: {  	_ =	shalt  }
0x6a: {  	_ =	shalt  }
0x6b: {  	_ =	shalt  }
0x6c: {  	_ =	shalt  }
0x6d: {  	_ =	shalt  }
0x6e: {  	_ =	shalt  }
0x6f: {  	_ =	shalt  }
0x70: {  	_ =	shalt  }
0x71: {  	_ =	shalt  }
0x72: {  	_ =	shalt  }
0x73: {  	_ =	shalt  }
0x74: {  	_ =	shalt  }
0x75: {  	_ =	shalt  }
0x76: {  	_ =	shalt  }
0x77: {  	_ =	shalt  }
0x78: {  	_ =	shalt  }
0x79: {  	_ =	shalt  }
0x7a: {  	_ =	shalt  }
0x7b: {  	_ =	shalt  }
0x7c: {  	_ =	shalt  }
0x7d: {  	_ =	shalt  }
0x7e: {  	_ =	shalt  }
0x7f: {  	_ =	shalt  }
0x80: {  	_ =	shalt  }
0x81: {  	_ =	shalt  }
0x82: {  	_ =	shalt  }
0x83: {  	_ =	shalt  }
0x84: {  	_ =	shalt  }
0x85: {  	_ =	shalt  }
0x86: {  	_ =	shalt  }
0x87: {  	_ =	shalt  }
.Lfunc_end0:
.L_simem_size_0:
called_computation.2_lowered:
.L_overlay_start_0:
0x88: {  	s2 =	sld [smem:$0x3FD9]  }
0x89: {  	s3 =	sld [smem:$0x3FFE];
	_ =	sdelay $0x1  }
0x8a: {  	s1 =	srdreg.scid  }
0x8b: {  	s0 =	sand.u32 $0x1, s1  }
0x8c: {  	s17 =	sshll.u32 s0, $0xA;
	s2 =	sadd.s32 s3, s2  }
0x8d: {  	s2 =	sadd.s32 s2, s17  }
0x8e: {  	[smem:$0x3FB3] =	sst s2  }
0x8f: {  	_ = 	snop  }
0x90: {  	(tm) =	ssettm $0x1  }
0x91: {  	s18 =	sld [smem:$0x3FFB];
	_ =	sdelay $0x3  }
0x92: {  	_ =	strace s18  }
0x93: {  	s2 =	sld [smem:$0x3FFC];
	_ =	sdelay $0x3  }
0x94: {  	_ =	strace s2  }
0x95: {  	s2 =	sld [smem:$0x3FFD];
	_ =	sdelay $0x3  }
0x96: {  	_ =	strace s2  }
0x97: {  	_ =	strace $0x8FFFFFFF  }
0x98: {  	s19 =	sld [smem:$0x3FDB];
	_ =	sdelay $0x1  }
0x99: {  	s20 =	simm.s32 $_scs_section_size  }
0x9a: {  	s4 =	simm.s32 $_size__tile_overlayer_lowered;
	s5 =	simm.s32 $_tile_overlayer_lowered  }
0x9b: {  	s6 =	simm.s32 $0x1BFF;
	s21 =	sshll.u32 s5, $0x1;
	s3 =	sadd.s32 s20, s19  }
0x9c: {  	s22 =	simm.s32 $0x0;
	s4 =	sshll.u32 s4, $0x1;
	s5 =	sadd.s32 s21, s3  }
0x9d: {  	[timem:s22], [sflag:s6] =	dma.local [hbm:s5], s4  }
0x9e: {  	_ =	swait.ge [sflag:s6], s4  }
0x9f: {  	s4 =	ssub.s32 $0x0, s4;
	[sflag:s6] =	ssyncset.done $0x0  }
0xa0: {  	[sflag:s6] =	ssyncadd.s32 s4;
	_ =	sdelay $0x1  }
0xa1: {  	s23 =	simm.s32 $0x1B8B  }
0xa2: {  	_ =	swait.ge [sflag:s23], $0x1  }
0xa3: {  	[sflag:s23] =	ssyncset.done $0x0  }
0xa4: {  	[sflag:s23] =	ssyncadd.s32 $0xFFFFFFFF  }
0xa5: {  	s4 =	sld [smem:$0x0]  }
0xa6: {  	s5 =	sand.u32 $0xFFFFFFFE, s1  }
0xa7: {  	p0 =	sne.s32 s1, s5  }
0xa8: {  	s5 =	sshll.u32 @p0 s5, $0xE  }
0xa9: {  	s5 =	sadd.s32 @p0 $0x11B8D, s5;
	s6 =	sshll.u32 @p0 s4, $0x11  }
0xaa: {  	s5 =	sor.u32 @p0 s6, s5  }
0xab: {  	[sflag:s5] =	ssyncadd.remote.s32 @p0 $0x1;
	_ =	sdelay $0x1  }
0xac: {  	s5 =	simm.s32 @p0 $0x1B8D  }
0xad: {  	_ =	swait.eq @p0 [sflag:s5], $0x1  }
0xae: {  	[sflag:s5] =	ssyncadd.s32 @p0 $0xFFFFFFFF  }
0xaf: {  	s6 =	sshll.u32 @!p0 s1, $0xE  }
0xb0: {  	s6 =	sor.u32 @!p0 $0x4000, s6;
	s5 =	simm.s32 @!p0 $0x1B8D  }
0xb1: {  	s4 =	sshll.u32 @!p0 s4, $0x11;
	s6 =	sadd.s32 @!p0 $0x11B8D, s6;
	_ =	swait.eq @!p0 [sflag:s5], $0x1  }
0xb2: {  	s4 =	sor.u32 @!p0 s4, s6;
	[sflag:s5] =	ssyncadd.s32 @!p0 $0xFFFFFFFF  }
0xb3: {  	s25 =	simm.s32 $0x1B8E;
	s24 =	sld [smem:$0x3FFE];
	[sflag:s4] =	ssyncadd.remote.s32 @!p0 $0x1  }
0xb4: {  	s26 =	simm.s32 $execute0_lowered;
	[smem:$0x3FD2] =	sst s25  }
0xb5: {  	s5 =	sshll.u32 s26, $0x1;
	_ =	strace $0x8000004C;
	[dreg:$0x1] =	wrdreg $0xFFFFFFFF  }
0xb6: {  	s28 =	simm.s32 $_size_execute0_lowered;
	s3 =	sadd.s32 s3, s5;
	[dreg:$0x0] =	wrdreg $0x0  }
0xb7: {  	s5 =	sshll.u32 s28, $0x1;
	[dreg:$0x2] =	wrdreg s3  }
0xb8: {  	[dreg:$0x3] =	wrdreg s5  }
0xb9: {  	[dreg:$0x4] =	wrdreg $0xC0  }
0xba: {  	_ =	task [dreg:s22], $0x5FFFF  }
0xbb: {  	[dreg:$0x1] =	wrdreg $0xFFFFFFFF  }
0xbc: {  	[dreg:$0x0] =	wrdreg $0x60  }
0xbd: {  	[dreg:$0x2] =	wrdreg s24  }
0xbe: {  	[dreg:$0x3] =	wrdreg $0x80800  }
0xbf: {  	[dreg:$0x4] =	wrdreg $0xA  }
0xc0: {  	_ =	task.clear_ibuf [dreg:s22], $0x5FFFF;
	_ =	strace $0x9000004C  }
0xc1: {  	s29 =	simm.s32 $0xA;
	_ =	strace $0x8000004E  }
0xc2: {  	_ =	swait.ge [sflag:s29], $0x1  }
0xc3: {  	[sflag:s29] =	ssyncadd.s32 $0xFFFFFFFF  }
0xc4: {  	_ =	strace $0x9000004E  }
0xc5: {  	_ =	sfence  }
0xc6: {  	s30 =	sld [smem:$0x0];
	_ =	sdelay $0x2  }
0xc7: {  	s31 =	sshll.u32 s1, $0xD;
	s1 =	sshrl.u32 s1, $0x2  }
0xc8: {  	s4 =	sand.u32 $0x4000, s31;
	s1 =	sadd.s32 s1, s30  }
0xc9: {  	s0 =	sor.u32 s4, s0;
	s1 =	sshll.u32 s1, $0x11  }
0xca: {  	s0 =	sor.u32 s1, s0  }
0xcb: {  	s0 =	sadd.s32 $0x8F2B, s0  }
0xcc: {  	[sflag:s0] =	ssyncadd.remote.s32 $0x1  }
0xcd: {  	_ =	sfence.sel $0xFFFF  }
0xce: {  	[dreg:$0x0] =	wrdreg $0xFFFFFFFF;
	(pc) =	sbr.abs _section_cstart, $3  }
0xcf: {  	[dreg:$0x1] =	wrdreg $0xFFFFFFFF  }
0xd0: {  	_ =	task.clear_ibuf [dreg:s22], $0x2FFFF;
	_ =	strace $0x9FFFFFFF  }
0xd1: {  	(tm) =	ssettm $0x7FFFFFFF  }
tec
execute0_lowered:
.L_overlay_start_1:
0x0: {  	(tag) =	ssettag $0x1  }
0x1: {  	s5 =	rddreg [dreg:$0x0]  }
0x2: {  	s1 =	rddreg [dreg:$0x1]  }
0x3: {  	s0 =	rddreg [dreg:$0x2];
	s2 =	simm.s32 $0x0  }
0x4: {  	s3 =	srdreg.scid;
	s15 =	stileid.u32;
	s13 =	simm.s32 $0x4080  }
0x5: {  	s14 =	simm.s32 $0x1;
	s17 =	simm.s32 $0x0;
	[smem:$0x7FF] =	sst s2  }
0x6: {  	s6 =	sand.u32 $0x1, s3;
	s3 =	sadd.s32 $0x1433000, s5;
	s4 =	sadd.s32 $0x7B400, s5  }
0x7: {  	s8 =	smul.u32 $0x4F800, s15;
	s30 =	sshll.u32 s15, $0x1;
	p0 =	sne.s32 s15, $0x0  }
0x8: {  	s15 =	simm.s32 $0x80;
	_ =	strace $0x8000004D;
	s7 =	smul.u32 $0x27C00, s6  }
0x9: {  	s29 =	ssub.s32 $0x2, s6;
	s6 =	sor.u32 s6, s30;
	s16 =	sshrl.u32 @!p0 s1, $0x3  }
0xa: {  	s10 =	sshrl.u32 s29, $0x1;
	s31 =	sshrl.u32 s8, $0x2;
	s9 =	sadd.s32 s7, s5  }
0xb: {  	s10 =	ssub.s32 s29, s10;
	s5 =	smul.u32 $0x2780, s6;
	s6 =	sadd.s32 s31, s1  }
0xc: {  	s7 =	sadd.s32 $0x10000, s6;
	s8 =	sadd.s32 $0x8F000, s9;
	s9 =	smax.u32 s10, $0x1  }
0xd: {  	v0 =	vimm.f32 $0.0e+00;
	s10 =	sadd.s32 $0x4000, s6;
	s11 =	sadd.s32 $0x8000, s6;
	s12 =	sadd.s32 $0xC000, s6  }
.LBB2_1:
0xe: {  	s18 =	simm.s32 $0x0;
	s19 =	simm.s32 $0x200  }
.LBB2_2:
0xf: {  	p1 =	sne.s32 s19, $0xFE00;
	[tilespmem:s18+$0x40F0] =	vst v0  }
0x10: {  	[tilespmem:s18+$0x4080] =	vst v0  }
0x11: {  	[tilespmem:s18+$0x4090] =	vst v0  }
.Ltmp0:
0x12: {  	[tilespmem:s18+$0x40A0] =	vst v0;
	(pc) =	sbr.rel @p1 .LBB2_2-.Ltmp0, $4  }
0x13: {  	[tilespmem:s18+$0x40B0] =	vst v0  }
0x14: {  	[tilespmem:s18+$0x40C0] =	vst v0  }
0x15: {  	[tilespmem:s18+$0x40D0] =	vst v0  }
0x16: {  	[tilespmem:s18+$0x40E0] =	vst v0;
	s18 =	sshra.s32 s19, $0x2;
	s19 =	sadd.s32 $0x200, s19  }
0x17: {  	[tilespmem:s18+$0x40F0] =	vst v0  }
0x18: {  	[tilespmem:s18+$0x4080] =	vst v0  }
0x19: {  	[tilespmem:s18+$0x4090] =	vst v0  }
0x1a: {  	[tilespmem:s18+$0x40A0] =	vst v0  }
0x1b: {  	[tilespmem:s18+$0x40B0] =	vst v0  }
0x1c: {  	[tilespmem:s18+$0x40C0] =	vst v0  }
0x1d: {  	[tilespmem:s18+$0x40D0] =	vst v0  }
0x1e: {  	[tilespmem:s18+$0x40E0] =	vst v0  }
0x1f: {  	[spmem:s6] =	stream.linear.scatter [tilespmem:s13], [sflag:$0x1], $0x4000, $0x38;
	[tilespmem:$0x1BE80] =	vst v63  }
0x20: {  	_ =	swait.ge [sflag:s14], $0x4000  }
0x21: {  	[sflag:s14] =	ssyncset.done $0x0  }
0x22: {  	[sflag:s14] =	ssyncadd.s32 $0xFFFFC000  }
0x23: {  	[spmem:s10] =	stream.linear.scatter [tilespmem:s13], [sflag:$0x1], $0x4000, $0x38;
	[tilespmem:$0x1BE80] =	vst v63  }
0x24: {  	_ =	swait.ge [sflag:s14], $0x4000  }
0x25: {  	[sflag:s14] =	ssyncset.done $0x0  }
0x26: {  	[sflag:s14] =	ssyncadd.s32 $0xFFFFC000  }
0x27: {  	[spmem:s11] =	stream.linear.scatter [tilespmem:s13], [sflag:$0x1], $0x4000, $0x38;
	[tilespmem:$0x1BE80] =	vst v63  }
0x28: {  	_ =	swait.ge [sflag:s14], $0x4000  }
0x29: {  	[sflag:s14] =	ssyncset.done $0x0  }
0x2a: {  	[sflag:s14] =	ssyncadd.s32 $0xFFFFC000  }
0x2b: {  	[spmem:s12] =	stream.linear.scatter [tilespmem:s13], [sflag:$0x1], $0x4000, $0x38;
	[tilespmem:$0x1BE80] =	vst v63  }
0x2c: {  	_ =	swait.ge [sflag:s14], $0x4000  }
0x2d: {  	[sflag:s14] =	ssyncset.done $0x0  }
0x2e: {  	[sflag:s14] =	ssyncadd.s32 $0xFFFFC000  }
0x2f: {  	[spmem:s7] =	stream.linear.scatter [tilespmem:s13], [sflag:$0x1], $0x3E00, $0x38;
	[tilespmem:$0x1BE80] =	vst v63  }
0x30: {  	_ =	swait.ge [sflag:s14], $0x3E00  }
0x31: {  	[sflag:s14] =	ssyncset.done $0x0  }
0x32: {  	[sflag:s14] =	ssyncadd.s32 $0xFFFFC200  }
0x33: {  	s18 =	simm.s32 $0x0;
	s19 =	simm.s32 $0x0;
	[bflag:$0x0] =	sbarrier.arrive $0xFFFF  }
.LBB2_4:
0x34: {  	s20 =	sshll.u32 s19, $0x7  }
0x35: {  	s20 =	sadd.s32 s5, s20  }
0x36: {  	s21 =	sshrl.u32 s20, $0x3  }
0x37: {  	s21 =	sadd.s32 s4, s21  }
0x38: {  	[tilespmem:s18], [sflag:$0x1] =	stream.linear.gather [hbm4b:s21+s18], $0x80, $0x38;
	[tilespmem:$0x1BE80] =	vst v63  }
0x39: {  	_ =	swait.ge [sflag:s14], $0x80  }
0x3a: {  	s20 =	sshll.u32 s20, $0x4;
	[sflag:s14] =	ssyncset.done $0x0  }
0x3b: {  	s20 =	sadd.s32 s3, s20;
	[sflag:s14] =	ssyncadd.s32 $0xFFFFFF80  }
0x3c: {  	[tilespmem:s15], [sflag:$0x1] =	stream.linear.gather [hbm4b:s20+s18], $0x4000, $0x38;
	[tilespmem:$0x1BE80] =	vst v63  }
0x3d: {  	_ =	swait.ge [sflag:s14], $0x4000  }
0x3e: {  	[sflag:s14] =	ssyncset.done $0x0  }
0x3f: {  	s20 =	simm.s32 $0x0;
	[sflag:s14] =	ssyncadd.s32 $0xFFFFC000  }
0x40: {  	v1 =	vld [tilespmem:s20+$0x90]  }
0x41: {  	s21 =	simm.s32 $0x200;
	v2 =	vld [tilespmem:s20+$0x80]  }
.LBB2_5:
0x42: {  	p1 =	sne.s32 s21, $0xFE00  }
.Ltmp1:
0x43: {  	_ = 	snop;
	(pc) =	sbr.rel @p1 .LBB2_5-.Ltmp1, $4  }
0x44: {  	_ = 	snop  }
0x45: {  	s22 =	sshra.s32 s21, $0x2;
	s21 =	sadd.s32 $0x200, s21;
	[tilespmem:s20+$0x4090] =	vst v1  }
0x46: {  	v1 =	vld [tilespmem:s22+$0x90];
	[tilespmem:s20+$0x4080] =	vst v2;
	s20 =	smov.u32 s22  }
0x47: {  	v2 =	vld [tilespmem:s20+$0x80]  }
0x48: {  	_ =	sdelay $0x1  }
0x49: {  	s19 =	sadd.s32 $0x1, s19  }
0x4a: {  	p1 =	sne.s32 s19, $0x4F;
	[tilespmem:s20+$0x4090] =	vst v1  }
.Ltmp2:
0x4b: {  	[tilespmem:s20+$0x4080] =	vst v2;
	(pc) =	sbr.rel @p1 .LBB2_4-.Ltmp2, $4  }
0x4c: {  	[spmem:s1] =	stream.indirect.scatter.add.f32 [tilespmem:s13], [sflag:$0x1], $0x80, s2, s15, $0xb8;
	[tilespmem:$0x1BE80] =	vst v63  }
0x4d: {  	_ =	swait.ge [sflag:s14], $0x4000  }
0x4e: {  	[sflag:s14] =	ssyncset.done $0x0  }
0x4f: {  	[sflag:s14] =	ssyncadd.s32 $0xFFFFC000  }
0x50: {  	[bflag:$0x0] =	sbarrier.arrive $0xFFFF;
	s18 =	simm.s32 @!p0 $0x1C01;
	s17 =	sadd.s32 $0x1, s17  }
0x51: {  	[hbm:s8], [sflag:s18] =	dma.local @!p0 [spmem:s16], $0x27C00  }
0x52: {  	p1 =	sne.s32 s17, s9  }
.Ltmp3:
0x53: {  	_ = 	snop;
	(pc) =	sbr.rel @p1 .LBB2_1-.Ltmp3, $4  }
0x54: {  	s18 =	simm.s32 @!p0 $0x1  }
0x55: {  	_ =	swait.ge @!p0 [sflag:s18], $0x27C00  }
0x56: {  	[sflag:s18] =	ssyncset.done @!p0 $0x0  }
0x57: {  	[sflag:s18] =	ssyncadd.s32 @!p0 $0xFFFD8400  }
0x58: {  	_ =	sfence.sel $0x180000  }
0x59: {  	[bflag:$0x0] =	sbarrier.arrive $0xFFFF  }
0x5a: {  	_ =	strace $0x9000004D  }
0x5b: {  	s0 =	sadd.s32 @!p0 $0x100000, s0;
	[bflag:$0x2] =	sbarrier.arrive $0xFFFF  }
0x5c: {  	[sflag:s0] =	ssyncadd.tile.s32 @!p0 $0x1;
	_ =	shalt  }
.Lfunc_end2:
_tile_overlayer_lowered:
.L_overlay_start_2:
0x5d: {  	(tag) =	ssettag $0x2  }
0x5e: {  	s0 =	rddreg [dreg:$0x0];
	s2 =	stileid.u32  }
0x5f: {  	s1 =	rddreg [dreg:$0x1];
	p0 =	sne.s32 s2, $0x0  }
0x60: {  	s3 =	rddreg [dreg:$0x2];
	[bflag:$0x3] =	sbarrier.arrive $0xFFFF;
	s2 =	simm.s32 @!p0 $0x1C01  }
0x61: {  	[timem:s3], [sflag:s2] =	dma.local @!p0 [hbm:s0], s1  }
0x62: {  	s0 =	simm.s32 @!p0 $0x1  }
0x63: {  	_ =	swait.ge @!p0 [sflag:s0], s1  }
0x64: {  	s1 =	ssub.s32 @!p0 $0x0, s1;
	[sflag:s0] =	ssyncset.done @!p0 $0x0  }
0x65: {  	[sflag:s0] =	ssyncadd.s32 @!p0 s1  }
0x66: {  	[bflag:$0x3] =	sbarrier.arrive $0xFFFF  }
0x67: {  	_ =	shalt  }

// kernel: kernel.8.cloned.1.call-start
scs
__scs_entry_jumppad:
0x0: {  	(pc) =	sbr.rel $0x88, $3  }
0x1: {  	(tag) =	ssettag $0x0;
	lr =	simm.s32 $0x1  }
0x2: {  	[smem:$0x3F8C] =	sst lr;
	_ =	strace $0xD0000000  }
0x3: {  	_ = 	snop  }
0x4: {  	_ = 	snop  }
0x5: {  	_ = 	snop  }
0x6: {  	_ = 	snop  }
0x7: {  	_ = 	snop  }
__scs_overlays_trampoline_lowered:
0x8: {  	[smem:$0x3F9B] =	sst s0  }
0x9: {  	[smem:$0x3F9C] =	sst s1  }
0xa: {  	[smem:$0x3F9D] =	sst s2  }
0xb: {  	[smem:$0x3F9E] =	sst s3  }
0xc: {  	[smem:$0x3F9F] =	sst s4  }
0xd: {  	[smem:$0x3FA0] =	sst s5  }
0xe: {  	[smem:$0x3FA1] =	sst s6  }
0xf: {  	[smem:$0x3FA2] =	sst s7  }
0x10: {  	[smem:$0x3FA3] =	sst s8  }
0x11: {  	[smem:$0x3FA4] =	sst s9;
	s0 =	simm.s32 @!p0 $0x0  }
0x12: {  	s1 =	sld [smem:$0x3F8A];
	s0 =	simm.s32 @p0 $0x1  }
0x13: {  	[smem:$0x3FA5] =	sst s0;
	s0 =	simm.s32 @!p1 $0x0  }
0x14: {  	s2 =	sld [smem:$0x3F89];
	s0 =	simm.s32 @p1 $0x1  }
0x15: {  	[smem:$0x3FA6] =	sst s0;
	s0 =	simm.s32 @!p2 $0x0  }
0x16: {  	s3 =	sld [smem:$0x3FDB];
	s0 =	simm.s32 @p2 $0x1  }
0x17: {  	s4 =	simm.s32 $0x1BF5;
	[smem:$0x3FA8] =	sst s0  }
0x18: {  	s0 =	sld [smem:$0x3F8B];
	_ =	swait.ge [sflag:s4], $0x0  }
0x19: {  	s7 =	sld [smem:$0x3F8C]  }
0x1a: {  	s8 =	sadd.s32 $0xFFFFE003, lr  }
0x1b: {  	s9 =	sadd.s32 $0xFFFFFEF7, lr;
	s5 =	simm.s32 $0xFFFFFFFF;
	p2 =	slt.u32 s8, $0xFFFFF086  }
0x1c: {  	p1 =	slt.u32 s9, $0xF7A;
	s5 =	simm.s32 @!p2 $0x0  }
0x1d: {  	s5 =	simm.s32 @p1 $0x1;
	p0 =	seq.s32 s7, s2  }
0x1e: {  	s7 =	smul.u32 @!p0 $0xF7A, s2;
	p2 =	seq.s32 @!p0 s5, $0x0  }
0x1f: {  	s9 =	smul.u32 $0xF7A, s1;
	s8 =	simm.s32 @!p0 $0x1BF5;
	p2 =	por !p2, p0  }
0x20: {  	[sflag:s8] =	ssyncset.s32 @!p0 $0xFFFFF086;
	s6 =	sadd.s32 @!p0 s3, s7;
	s7 =	simm.s32 @!p0 $0x108  }
0x21: {  	s3 =	sadd.s32 s3, s9;
	s6 =	sadd.s32 @!p0 $0x88, s6;
	s7 =	simm.s32 @p2 $0x1082  }
0x22: {  	[simem:s7], [sflag:s8] =	dma.local @!p0 [hbm:s6], $0xF7A  }
0x23: {  	s9 =	sor.u32 $0xD0000000, s2;
	s6 =	simm.s32 $0x108;
	_ =	swait.ge @!p0 [sflag:s8], $0x0  }
0x24: {  	s3 =	sadd.s32 $0x88, s3;
	s6 =	simm.s32 @!p1 $0x1082;
	[sflag:s4] =	ssyncset.s32 $0xFFFFF086  }
0x25: {  	[simem:s6], [sflag:s4] =	dma.local [hbm:s3], $0xF7A  }
0x26: {  	[smem:$0x3F8C] =	sst s1;
	(tag) =	ssettag s2;
	_ =	strace s9  }
0x27: {  	s1 =	sld [smem:$0x3F9C]  }
0x28: {  	s2 =	sld [smem:$0x3F9D]  }
0x29: {  	s4 =	sld [smem:$0x3F9F]  }
0x2a: {  	p0 =	seq.s32 s5, $0x0;
	s5 =	sld [smem:$0x3FA0]  }
0x2b: {  	s6 =	sld [smem:$0x3FA1]  }
0x2c: {  	s7 =	sld [smem:$0x3FA2]  }
0x2d: {  	s3 =	simm.s32 $0x108;
	s8 =	sld [smem:$0x3FA3]  }
0x2e: {  	s3 =	simm.s32 @!p0 $0x1082;
	s9 =	sld [smem:$0x3FA4]  }
0x2f: {  	lr =	sadd.s32 s0, s3;
	s0 =	sld [smem:$0x3F9B]  }
0x30: {  	s3 =	sld [smem:$0x3F9E]  }
0x31: {  	[smem:$0x3FA7] =	sst s10  }
0x32: {  	s10 =	sld [smem:$0x3FA5];
	_ =	sdelay $0x3  }
0x33: {  	p0 =	seq.s32 s10, $0x1;
	s10 =	sld [smem:$0x3FA7];
	_ =	sdelay $0x3  }
0x34: {  	[smem:$0x3FA7] =	sst s10  }
0x35: {  	s10 =	sld [smem:$0x3FA6];
	_ =	sdelay $0x3  }
0x36: {  	p1 =	seq.s32 s10, $0x1;
	s10 =	sld [smem:$0x3FA7];
	_ =	sdelay $0x3  }
0x37: {  	[smem:$0x3FA7] =	sst s10  }
0x38: {  	s10 =	sld [smem:$0x3FA8]  }
0x39: {  	_ = 	snop;
	(pc) =	sbr.ind lr, $3  }
0x3a: {  	_ = 	snop  }
0x3b: {  	_ = 	snop  }
0x3c: {  	p2 =	seq.s32 s10, $0x1;
	s10 =	sld [smem:$0x3FA7]  }
0x3d: {  	_ =	shalt  }
0x3e: {  	_ =	shalt  }
0x3f: {  	_ =	shalt  }
0x40: {  	_ =	shalt  }
0x41: {  	_ =	shalt  }
0x42: {  	_ =	shalt  }
0x43: {  	_ =	shalt  }
0x44: {  	_ =	shalt  }
0x45: {  	_ =	shalt  }
0x46: {  	_ =	shalt  }
0x47: {  	_ =	shalt  }
0x48: {  	_ =	shalt  }
0x49: {  	_ =	shalt  }
0x4a: {  	_ =	shalt  }
0x4b: {  	_ =	shalt  }
0x4c: {  	_ =	shalt  }
0x4d: {  	_ =	shalt  }
0x4e: {  	_ =	shalt  }
0x4f: {  	_ =	shalt  }
0x50: {  	_ =	shalt  }
0x51: {  	_ =	shalt  }
0x52: {  	_ =	shalt  }
0x53: {  	_ =	shalt  }
0x54: {  	_ =	shalt  }
0x55: {  	_ =	shalt  }
0x56: {  	_ =	shalt  }
0x57: {  	_ =	shalt  }
0x58: {  	_ =	shalt  }
0x59: {  	_ =	shalt  }
0x5a: {  	_ =	shalt  }
0x5b: {  	_ =	shalt  }
0x5c: {  	_ =	shalt  }
0x5d: {  	_ =	shalt  }
0x5e: {  	_ =	shalt  }
0x5f: {  	_ =	shalt  }
0x60: {  	_ =	shalt  }
0x61: {  	_ =	shalt  }
0x62: {  	_ =	shalt  }
0x63: {  	_ =	shalt  }
0x64: {  	_ =	shalt  }
0x65: {  	_ =	shalt  }
0x66: {  	_ =	shalt  }
0x67: {  	_ =	shalt  }
0x68: {  	_ =	shalt  }
0x69: {  	_ =	shalt  }
0x6a: {  	_ =	shalt  }
0x6b: {  	_ =	shalt  }
0x6c: {  	_ =	shalt  }
0x6d: {  	_ =	shalt  }
0x6e: {  	_ =	shalt  }
0x6f: {  	_ =	shalt  }
0x70: {  	_ =	shalt  }
0x71: {  	_ =	shalt  }
0x72: {  	_ =	shalt  }
0x73: {  	_ =	shalt  }
0x74: {  	_ =	shalt  }
0x75: {  	_ =	shalt  }
0x76: {  	_ =	shalt  }
0x77: {  	_ =	shalt  }
0x78: {  	_ =	shalt  }
0x79: {  	_ =	shalt  }
0x7a: {  	_ =	shalt  }
0x7b: {  	_ =	shalt  }
0x7c: {  	_ =	shalt  }
0x7d: {  	_ =	shalt  }
0x7e: {  	_ =	shalt  }
0x7f: {  	_ =	shalt  }
0x80: {  	_ =	shalt  }
0x81: {  	_ =	shalt  }
0x82: {  	_ =	shalt  }
0x83: {  	_ =	shalt  }
0x84: {  	_ =	shalt  }
0x85: {  	_ =	shalt  }
0x86: {  	_ =	shalt  }
0x87: {  	_ =	shalt  }
.Lfunc_end0:
.L_simem_size_0:
called_computation_lowered:
.L_overlay_start_0:
0x88: {  	s2 =	sld [smem:$0x3FD9]  }
0x89: {  	s3 =	sld [smem:$0x3FFE];
	_ =	sdelay $0x1  }
0x8a: {  	s1 =	srdreg.scid  }
0x8b: {  	s0 =	sand.u32 $0x1, s1  }
0x8c: {  	s16 =	sshll.u32 s0, $0xA;
	s2 =	sadd.s32 s3, s2  }
0x8d: {  	s2 =	sadd.s32 s2, s16  }
0x8e: {  	[smem:$0x3FB3] =	sst s2  }
0x8f: {  	_ = 	snop  }
0x90: {  	(tm) =	ssettm $0x1  }
0x91: {  	s17 =	sld [smem:$0x3FFB];
	_ =	sdelay $0x3  }
0x92: {  	_ =	strace s17  }
0x93: {  	s2 =	sld [smem:$0x3FFC];
	_ =	sdelay $0x3  }
0x94: {  	_ =	strace s2  }
0x95: {  	s2 =	sld [smem:$0x3FFD];
	_ =	sdelay $0x3  }
0x96: {  	_ =	strace s2  }
0x97: {  	_ =	strace $0x8FFFFFFF  }
0x98: {  	s18 =	sld [smem:$0x3FDB];
	_ =	sdelay $0x1  }
0x99: {  	s19 =	simm.s32 $_scs_section_size  }
0x9a: {  	s4 =	simm.s32 $_size__tile_overlayer_lowered;
	s5 =	simm.s32 $_tile_overlayer_lowered  }
0x9b: {  	s22 =	simm.s32 $0x1BFF;
	s21 =	sshll.u32 s5, $0x1;
	s2 =	sadd.s32 s19, s18  }
0x9c: {  	s6 =	simm.s32 $0x0;
	s20 =	sshll.u32 s4, $0x1;
	s4 =	sadd.s32 s21, s2  }
0x9d: {  	[timem:s6], [sflag:s22] =	dma.local [hbm:s4], s20  }
0x9e: {  	_ =	swait.ge [sflag:s22], s20  }
0x9f: {  	s3 =	ssub.s32 $0x0, s20;
	[sflag:s22] =	ssyncset.done $0x0  }
0xa0: {  	[sflag:s22] =	ssyncadd.s32 s3;
	_ =	sdelay $0x1  }
0xa1: {  	s23 =	simm.s32 $0x1B8B  }
0xa2: {  	_ =	swait.ge [sflag:s23], $0x1  }
0xa3: {  	[sflag:s23] =	ssyncset.done $0x0  }
0xa4: {  	s25 =	simm.s32 $0x1B8E;
	s24 =	sld [smem:$0x3FFE];
	[sflag:s23] =	ssyncadd.s32 $0xFFFFFFFF  }
0xa5: {  	s26 =	simm.s32 $execute0_lowered;
	[smem:$0x3FD2] =	sst s25  }
0xa6: {  	s4 =	sshll.u32 s26, $0x1;
	_ =	strace $0x80000046;
	[dreg:$0x1] =	wrdreg $0xFFFFFFFF  }
0xa7: {  	s28 =	simm.s32 $_size_execute0_lowered;
	s2 =	sadd.s32 s2, s4;
	[dreg:$0x0] =	wrdreg $0x0  }
0xa8: {  	s4 =	sshll.u32 s28, $0x1;
	[dreg:$0x2] =	wrdreg s2  }
0xa9: {  	[dreg:$0x3] =	wrdreg s4  }
0xaa: {  	[dreg:$0x4] =	wrdreg $0xC0  }
0xab: {  	_ =	task [dreg:s6], $0x5FFFF  }
0xac: {  	[dreg:$0x1] =	wrdreg $0xFFFFFFFF  }
0xad: {  	[dreg:$0x0] =	wrdreg $0x60  }
0xae: {  	[dreg:$0x2] =	wrdreg s24  }
0xaf: {  	[dreg:$0x3] =	wrdreg $0x9  }
0xb0: {  	_ =	task.clear_ibuf [dreg:s6], $0x4FFFF;
	_ =	strace $0x90000046  }
0xb1: {  	s29 =	simm.s32 $0x9;
	_ =	strace $0x80000048  }
0xb2: {  	_ =	swait.ge [sflag:s29], $0x1  }
0xb3: {  	[sflag:s29] =	ssyncadd.s32 $0xFFFFFFFF  }
0xb4: {  	_ =	strace $0x90000048  }
0xb5: {  	_ =	sfence  }
0xb6: {  	s30 =	sld [smem:$0x0];
	_ =	sdelay $0x2  }
0xb7: {  	s31 =	sshll.u32 s1, $0xD;
	s1 =	sshrl.u32 s1, $0x2  }
0xb8: {  	s3 =	sand.u32 $0x4000, s31;
	s1 =	sadd.s32 s1, s30  }
0xb9: {  	s0 =	sor.u32 s3, s0;
	s1 =	sshll.u32 s1, $0x11  }
0xba: {  	s0 =	sor.u32 s1, s0  }
0xbb: {  	s0 =	sadd.s32 $0x8F2B, s0  }
0xbc: {  	[sflag:s0] =	ssyncadd.remote.s32 $0x1  }
0xbd: {  	_ =	sfence.sel $0xFFFF  }
0xbe: {  	[dreg:$0x0] =	wrdreg $0xFFFFFFFF;
	(pc) =	sbr.abs _section_cstart, $3  }
0xbf: {  	[dreg:$0x1] =	wrdreg $0xFFFFFFFF  }
0xc0: {  	_ =	task.clear_ibuf [dreg:s6], $0x2FFFF;
	_ =	strace $0x9FFFFFFF  }
0xc1: {  	(tm) =	ssettm $0x7FFFFFFF  }
tec
execute0_lowered:
.L_overlay_start_1:
0x0: {  	(tag) =	ssettag $0x1  }
0x1: {  	s7 =	rddreg [dreg:$0x0]  }
0x2: {  	s0 =	rddreg [dreg:$0x1];
	s1 =	simm.s32 $0x0  }
0x3: {  	s2 =	srdreg.scid;
	s12 =	simm.s32 $0x100;
	s13 =	simm.s32 $0x4100  }
0x4: {  	s14 =	simm.s32 $0x1;
	s15 =	simm.s32 $0x2;
	s16 =	simm.s32 $0x0  }
0x5: {  	[smem:$0x7FF] =	sst s1;
	s3 =	sadd.s32 $0x2BC00, s7;
	s4 =	sadd.s32 $0x4000, s7  }
0x6: {  	s8 =	sand.u32 $0x1, s2;
	s5 =	sadd.s32 $0x7B400, s7;
	s2 =	stileid.u32  }
0x7: {  	s6 =	sadd.s32 $0x85200, s7;
	s7 =	sadd.s32 $0x8F000, s7;
	s9 =	ssub.s32 $0x2, s8  }
0x8: {  	_ =	strace $0x80000047;
	s11 =	sshll.u32 s2, $0x1;
	s10 =	sshrl.u32 s9, $0x1  }
0x9: {  	s8 =	sor.u32 s8, s11;
	s11 =	simm.s32 $0x80;
	s9 =	ssub.s32 s9, s10  }
0xa: {  	s8 =	smul.u32 $0x2780, s8;
	s10 =	simm.s32 $0x3;
	s9 =	smax.u32 s9, $0x1  }
.LBB2_1:
0xb: {  	s17 =	simm.s32 $0x0  }
.LBB2_2:
0xc: {  	s18 =	sshll.u32 s17, $0x7  }
0xd: {  	s18 =	sadd.s32 s8, s18  }
0xe: {  	s19 =	sshrl.u32 s18, $0x3  }
0xf: {  	s21 =	simm.s32 $0x0;
	s20 =	sadd.s32 s5, s19  }
0x10: {  	[tilespmem:s21], [sflag:$0x3] =	stream.linear.gather [hbm4b:s20+s21], $0x80, $0x38;
	[tilespmem:$0x8100] =	vst v63  }
0x11: {  	_ =	swait.ge [sflag:s10], $0x80  }
0x12: {  	[sflag:s10] =	ssyncset.done $0x0  }
0x13: {  	s19 =	sadd.s32 s6, s19;
	[sflag:s10] =	ssyncadd.s32 $0xFFFFFF80  }
0x14: {  	[tilespmem:s11], [sflag:$0x3] =	stream.linear.gather [hbm4b:s19+s21], $0x80, $0x38;
	[tilespmem:$0x8100] =	vst v63  }
0x15: {  	_ =	swait.ge [sflag:s10], $0x80  }
0x16: {  	[sflag:s10] =	ssyncset.done $0x0  }
0x17: {  	[sflag:s10] =	ssyncadd.s32 $0xFFFFFF80  }
0x18: {  	[tilespmem:s12], [sflag:$0x1] =	stream.indirect.gather [hbm4b:s3+s11], $0x80, s21, s11, $0xb8;
	[tilespmem:$0x8100] =	vst v63  }
0x19: {  	_ = 	snop  }
0x1a: {  	[tilespmem:s13], [sflag:$0x2] =	stream.indirect.gather [hbm4b:s4+s11], $0x80, s11, s11, $0xb8;
	[tilespmem:$0x8100] =	vst v63  }
0x1b: {  	_ =	swait.ge [sflag:s14], $0x4000  }
0x1c: {  	[sflag:s14] =	ssyncset.done $0x0  }
0x1d: {  	[sflag:s14] =	ssyncadd.s32 $0xFFFFC000  }
0x1e: {  	_ =	swait.ge [sflag:s15], $0x4000  }
0x1f: {  	[sflag:s15] =	ssyncset.done $0x0  }
0x20: {  	s19 =	simm.s32 $0x0;
	[sflag:s15] =	ssyncadd.s32 $0xFFFFC000  }
0x21: {  	v7 =	vld [tilespmem:s19+$0x4100]  }
0x22: {  	v11 =	vld [tilespmem:s19+$0x4110]  }
0x23: {  	v5 =	vld [tilespmem:s19+$0x4120]  }
0x24: {  	v4 =	vld [tilespmem:s19+$0x4130]  }
0x25: {  	v3 =	vld [tilespmem:s19+$0x4140]  }
0x26: {  	v2 =	vld [tilespmem:s19+$0x4150]  }
0x27: {  	v1 =	vld [tilespmem:s19+$0x4160]  }
0x28: {  	v0 =	vld [tilespmem:s19+$0x4170]  }
0x29: {  	v12 =	vld [tilespmem:s19+$0x100]  }
0x2a: {  	v13 =	vld [tilespmem:s19+$0x110]  }
0x2b: {  	v10 =	vld [tilespmem:s19+$0x120]  }
0x2c: {  	v9 =	vld [tilespmem:s19+$0x130]  }
0x2d: {  	v8 =	vld [tilespmem:s19+$0x140]  }
0x2e: {  	v6 =	vld [tilespmem:s19+$0x150];
	v12 =	vadd.f32 v7, v12  }
0x2f: {  	s20 =	simm.s32 $0x200;
	v11 =	vadd.f32 v11, v13;
	v7 =	vld [tilespmem:s19+$0x160]  }
.LBB2_3:
0x30: {  	s21 =	sshra.s32 s20, $0x2;
	p0 =	sne.s32 s20, $0xFE00;
	[tilespmem:s19+$0x100] =	vst v12;
	v5 =	vadd.f32 v5, v10;
	v10 =	vld [tilespmem:s19+$0x170]  }
0x31: {  	v12 =	vld [tilespmem:s21+$0x4100];
	[tilespmem:s19+$0x110] =	vst v11;
	v4 =	vadd.f32 v4, v9  }
0x32: {  	v11 =	vld [tilespmem:s21+$0x4110];
	[tilespmem:s19+$0x120] =	vst v5;
	v3 =	vadd.f32 v3, v8  }
0x33: {  	v5 =	vld [tilespmem:s21+$0x4120];
	[tilespmem:s19+$0x130] =	vst v4;
	v2 =	vadd.f32 v2, v6  }
0x34: {  	v4 =	vld [tilespmem:s21+$0x4130];
	[tilespmem:s19+$0x140] =	vst v3;
	v1 =	vadd.f32 v1, v7  }
0x35: {  	v3 =	vld [tilespmem:s21+$0x4140];
	[tilespmem:s19+$0x150] =	vst v2;
	v0 =	vadd.f32 v0, v10  }
0x36: {  	v2 =	vld [tilespmem:s21+$0x4150];
	[tilespmem:s19+$0x160] =	vst v1  }
0x37: {  	v1 =	vld [tilespmem:s21+$0x4160];
	[tilespmem:s19+$0x170] =	vst v0;
	s19 =	smov.u32 s21  }
0x38: {  	v0 =	vld [tilespmem:s19+$0x4170]  }
0x39: {  	v6 =	vld [tilespmem:s19+$0x100]  }
0x3a: {  	v7 =	vld [tilespmem:s19+$0x110]  }
.Ltmp0:
0x3b: {  	v10 =	vld [tilespmem:s19+$0x120];
	(pc) =	sbr.rel @p0 .LBB2_3-.Ltmp0, $4  }
0x3c: {  	v9 =	vld [tilespmem:s19+$0x130]  }
0x3d: {  	v8 =	vld [tilespmem:s19+$0x140]  }
0x3e: {  	v12 =	vadd.f32 v12, v6;
	v6 =	vld [tilespmem:s19+$0x150]  }
0x3f: {  	s20 =	sadd.s32 $0x200, s20;
	v11 =	vadd.f32 v11, v7;
	v7 =	vld [tilespmem:s19+$0x160]  }
0x40: {  	[tilespmem:s19+$0x100] =	vst v12;
	v5 =	vadd.f32 v5, v10;
	v63 =	vld [tilespmem:s19+$0x170]  }
0x41: {  	[tilespmem:s19+$0x110] =	vst v11;
	v4 =	vadd.f32 v4, v9  }
0x42: {  	[tilespmem:s19+$0x120] =	vst v5;
	v3 =	vadd.f32 v3, v8  }
0x43: {  	[tilespmem:s19+$0x130] =	vst v4;
	v2 =	vadd.f32 v2, v6  }
0x44: {  	[tilespmem:s19+$0x140] =	vst v3;
	v1 =	vadd.f32 v1, v7  }
0x45: {  	s17 =	sadd.s32 $0x1, s17;
	[tilespmem:s19+$0x150] =	vst v2;
	v0 =	vadd.f32 v0, v63  }
0x46: {  	s18 =	sshll.u32 s18, $0x4;
	p0 =	sne.s32 s17, $0x4F;
	[tilespmem:s19+$0x160] =	vst v1  }
.Ltmp1:
0x47: {  	s18 =	sadd.s32 s7, s18;
	[tilespmem:s19+$0x170] =	vst v0;
	(pc) =	sbr.rel @p0 .LBB2_2-.Ltmp1, $4  }
0x48: {  	[hbm4b:s18+s1] =	stream.linear.scatter [tilespmem:s12], [sflag:$0x3], $0x4000, $0x38;
	[tilespmem:$0x8100] =	vst v63  }
0x49: {  	_ =	swait.ge [sflag:s10], $0x4000  }
0x4a: {  	[sflag:s10] =	ssyncset.done $0x0  }
0x4b: {  	[sflag:s10] =	ssyncadd.s32 $0xFFFFC000  }
0x4c: {  	s16 =	sadd.s32 $0x1, s16  }
0x4d: {  	p0 =	sne.s32 s16, s9  }
.Ltmp2:
0x4e: {  	_ = 	snop;
	(pc) =	sbr.rel @p0 .LBB2_1-.Ltmp2, $1  }
0x4f: {  	_ =	sdelay $0x3  }
0x50: {  	_ =	sfence.sel $0x180000  }
0x51: {  	[bflag:$0x0] =	sbarrier.arrive $0xFFFF  }
0x52: {  	p0 =	sne.s32 s2, $0x0;
	_ =	strace $0x90000047  }
0x53: {  	s0 =	sadd.s32 @!p0 $0x100000, s0;
	[bflag:$0x2] =	sbarrier.arrive $0xFFFF  }
0x54: {  	[sflag:s0] =	ssyncadd.tile.s32 @!p0 $0x1;
	_ =	shalt  }
.Lfunc_end2:
_tile_overlayer_lowered:
.L_overlay_start_2:
0x55: {  	(tag) =	ssettag $0x2  }
0x56: {  	s0 =	rddreg [dreg:$0x0];
	s2 =	stileid.u32  }
0x57: {  	s1 =	rddreg [dreg:$0x1];
	p0 =	sne.s32 s2, $0x0  }
0x58: {  	s3 =	rddreg [dreg:$0x2];
	[bflag:$0x3] =	sbarrier.arrive $0xFFFF;
	s2 =	simm.s32 @!p0 $0x1C03  }
0x59: {  	[timem:s3], [sflag:s2] =	dma.local @!p0 [hbm:s0], s1  }
0x5a: {  	s0 =	simm.s32 @!p0 $0x3  }
0x5b: {  	_ =	swait.ge @!p0 [sflag:s0], s1  }
0x5c: {  	s1 =	ssub.s32 @!p0 $0x0, s1;
	[sflag:s0] =	ssyncset.done @!p0 $0x0  }
0x5d: {  	[sflag:s0] =	ssyncadd.s32 @!p0 s1  }
0x5e: {  	[bflag:$0x3] =	sbarrier.arrive $0xFFFF  }
0x5f: {  	_ =	shalt  }

</sc_bundles>
